<compile_context>
chip_gen: v7x
topology: tpu7x:2x2x1
jax: 0.10.2.dev20260603
libtpu: 0.0.44.dev20260713+nightly
codegen_flags: <defaults>
</compile_context>

<pallas_src>
import functools

import jax
import jax.numpy as jnp
from jax import lax
from jax.experimental import pallas as pl
from jax.experimental.pallas import tpu as pltpu
from jax.experimental.pallas import tpu_sc as plsc

_L = 16
_TW = 128
_TH = 8


def kernel(x, probe_x, probe_y):
    B, H, W = x.shape
    N = probe_x.shape[0]
    assert (B * N) % (32 * _L) == 0
    assert H % _TH == 0 and W % _TW == 0

    table = x.reshape(B * H, W)

    mesh = plsc.VectorSubcoreMesh(core_axis_name="c", subcore_axis_name="s")
    chunks_per_batch = N // _L

    @functools.partial(
        pl.kernel,
        mesh=mesh,
        out_type=jax.ShapeDtypeStruct((B, N), jnp.float32),
        scratch_types=[
            pltpu.VMEM((_L,), jnp.int32),
            pltpu.VMEM((_L,), jnp.int32),
            pltpu.VMEM((_L * _TH, _TW), jnp.float32),
            pltpu.VMEM((_L,), jnp.float32),
            pltpu.VMEM_SHARED((16 * _L * _TW,), jnp.float32),
            pltpu.SemaphoreType.DMA,
            pltpu.SemaphoreType.DMA,
        ],
    )
    def gather_kernel(table_hbm, px_hbm, py_hbm, out_hbm,
                      px_v, py_v, win_v, vals_v, shared_v, sem, sem2):
        sid = lax.axis_index("s")
        wid = sid * 2 + lax.axis_index("c")
        b = wid // chunks_per_batch
        c = wid % chunks_per_batch
        cpx = pltpu.make_async_copy(px_hbm.at[pl.ds(c * _L, _L)], px_v, sem2)
        cpy = pltpu.make_async_copy(py_hbm.at[pl.ds(c * _L, _L)], py_v, sem2)
        cpx.start()
        cpy.start()
        cpx.wait()
        cpy.wait()
        x0_vec = lax.bitwise_and(px_v[...], ~(_TW - 1))
        r0_vec = b * H + lax.bitwise_and(py_v[...], ~(_TH - 1))
        rin_vec = lax.bitwise_and(py_v[...], _TH - 1)
        win_copies = []
        for t in range(_L):
            r0_t = pl.multiple_of(r0_vec[t], _TH)
            x0_t = pl.multiple_of(x0_vec[t], _TW)
            win_copies.append(pltpu.make_async_copy(
                table_hbm.at[pl.ds(r0_t, _TH), pl.ds(x0_t, _TW)],
                win_v.at[pl.ds(t * _TH, _TH), :], sem))
        for cp in win_copies:
            cp.start()
        for cp in win_copies:
            cp.wait()
        base = sid * (_L * _TW)
        row_copies = []
        for t in range(_L):
            row_copies.append(pltpu.make_async_copy(
                win_v.at[t * _TH + rin_vec[t]],
                shared_v.at[pl.ds(base + t * _TW, _TW)], sem2))
        for cp in row_copies:
            cp.start()
        for cp in row_copies:
            cp.wait()
        flat_idx = (base + lax.iota(jnp.int32, _L) * _TW
                    + lax.bitwise_and(px_v[...], _TW - 1))
        pltpu.async_copy(shared_v.at[flat_idx], vals_v, sem).wait()
        pltpu.sync_copy(vals_v, out_hbm.at[b, pl.ds(c * _L, _L)])

    return gather_kernel(table, probe_x, probe_y)

# --- scband reference (transcript-rebuilt; emitter-appended) ---
"""Pipeline reference for scband-wave-probe-46823733461666 (READ-ONLY COPY).

The authoritative reference and input builder live on the scoring server;
editing this copy changes nothing except your own understanding.
"""

import jax, jax.numpy as jnp
import numpy as np


def setup_inputs(seed: int = 0) -> dict:
    key = jax.random.key(seed)
    x = jax.random.normal(key, (8, 2048, 2048), dtype=jnp.float32)
    # Probe coordinate buffers registered in __init__ (int64 buffers in torch).
    probe_x = jnp.arange(64, dtype=jnp.int32) * 31 + 7
    probe_y = jnp.arange(64, dtype=jnp.int32) * 29 + 11
    return {"x": x, "probe_x": probe_x, "probe_y": probe_y}


def reference(x, probe_x, probe_y):
    # WaveProbe.forward2d: x[:, self.y, self.x]
    # Advanced indexing with two aligned index vectors -> gather of 64 points per batch.
    return x[:, probe_y, probe_x]

if __name__ == "__main__":
    import jax
    _d = setup_inputs()
    print(jax.jit(kernel)(*tuple(_d.values())))

</pallas_src>

<mosaic_0001>
#map = affine_map<(d0, d1) -> (0, 0)>
#map1 = affine_map<(d0, d1) -> (0)>
module attributes {stable_mosaic.version = 14 : i64} {
  func.func @gather_kernel(%arg0: i32, %arg1: i32, %arg2: memref<16384x2048xf32, #tpu.memory_space<hbm>>, %arg3: memref<64xi32, #tpu.memory_space<hbm>>, %arg4: memref<64xi32, #tpu.memory_space<hbm>>, %arg5: memref<8x64xf32, #tpu.memory_space<hbm>>, %arg6: memref<16xi32, #tpu.memory_space<vmem>>, %arg7: memref<16xi32, #tpu.memory_space<vmem>>, %arg8: memref<128x128xf32, #tpu.memory_space<vmem>>, %arg9: memref<16xf32, #tpu.memory_space<vmem>>, %arg10: memref<32768xf32, #tpu.memory_space<vmem_shared>>, %arg11: memref<!tpu.dma_semaphore, #tpu.memory_space<semaphore_mem>>, %arg12: memref<!tpu.dma_semaphore, #tpu.memory_space<semaphore_mem>>) attributes {dimension_semantics = [#tpu.dimension_semantics<core_parallel>, #tpu.dimension_semantics<subcore_parallel>], iteration_bounds = array<i64: 2, 16>, scalar_prefetch = 0 : i64, scratch_operands = 7 : i64, tpu.core_type = #tpu.core_type<sc_vector_subcore>, window_params = [{transform_indices = #map}, {transform_indices = #map1}, {transform_indices = #map1}, {transform_indices = #map}]} {
    %mul3A = arith.constant 2 : i32
    %mul3A_0 = arith.muli %arg1, %mul3A : i32
    %add3A = arith.addi %mul3A_0, %arg0 : i32
    %jit3A = arith.constant 4 : i32
    %div3A = arith.divsi %add3A, %jit3A : i32
    %sign3A = arith.constant 0 : i32
    %sign3A_1 = arith.cmpi sgt, %add3A, %sign3A : i32
    %sign3A_2 = arith.extui %sign3A_1 : i1 to i32
    %sign3A_3 = arith.constant 0 : i32
    %sign3A_4 = arith.cmpi slt, %add3A, %sign3A_3 : i32
    %sign3A_5 = arith.extui %sign3A_4 : i1 to i32
    %sign3A_6 = arith.subi %sign3A_2, %sign3A_5 : i32
    %sign3A_7 = arith.constant 0 : i32
    %sign3A_8 = arith.cmpi sgt, %jit3A, %sign3A_7 : i32
    %sign3A_9 = arith.extui %sign3A_8 : i1 to i32
    %sign3A_10 = arith.constant 0 : i32
    %sign3A_11 = arith.cmpi slt, %jit3A, %sign3A_10 : i32
    %sign3A_12 = arith.extui %sign3A_11 : i1 to i32
    %sign3A_13 = arith.subi %sign3A_9, %sign3A_12 : i32
    %ne3A = arith.cmpi ne, %sign3A_6, %sign3A_13 : i32
    %rem3A = arith.remsi %add3A, %jit3A : i32
    %ne3A_14 = arith.constant 0 : i32
    %ne3A_15 = arith.cmpi ne, %rem3A, %ne3A_14 : i32
    %and3A = arith.andi %ne3A, %ne3A_15 : i1
    %sub3A = arith.constant 1 : i32
    %sub3A_16 = arith.subi %div3A, %sub3A : i32
    %select_n3A = arith.select %and3A, %sub3A_16, %div3A : i32
    %jit3A_17 = arith.constant 4 : i32
    %eq3A = arith.constant 0 : i32
    %eq3A_18 = arith.cmpi eq, %jit3A_17, %eq3A : i32
    %jit3A_19 = arith.constant 1 : i32
    %select_n3A_20 = arith.select %eq3A_18, %jit3A_19, %jit3A_17 : i32
    %rem3A_21 = arith.remsi %add3A, %select_n3A_20 : i32
    %ne3A_22 = arith.constant 0 : i32
    %ne3A_23 = arith.cmpi ne, %rem3A_21, %ne3A_22 : i32
    %lt3A = arith.constant 0 : i32
    %lt3A_24 = arith.cmpi slt, %rem3A_21, %lt3A : i32
    %lt3A_25 = arith.constant 0 : i32
    %lt3A_26 = arith.cmpi slt, %select_n3A_20, %lt3A_25 : i32
    %ne3A_27 = arith.xori %lt3A_24, %lt3A_26 : i1
    %and3A_28 = arith.andi %ne3A_27, %ne3A_23 : i1
    %add3A_29 = arith.addi %rem3A_21, %select_n3A_20 : i32
    %select_n3A_30 = arith.select %and3A_28, %add3A_29, %rem3A_21 : i32
    %mul3A_31 = arith.constant 16 : i32
    %mul3A_32 = arith.muli %select_n3A_30, %mul3A_31 : i32
    %mul3A_33 = arith.constant 16 : i32
    %mul3A_34 = arith.muli %select_n3A_30, %mul3A_33 : i32
    %dma_start3A = tpu.memref_slice %arg3[%mul3A_32] : memref<64xi32, #tpu.memory_space<hbm>> -> memref<16xi32, #tpu.memory_space<hbm>>
    %dma_start3A_35 = tpu.memref_slice %arg3[%mul3A_32] : memref<64xi32, #tpu.memory_space<hbm>> -> memref<16xi32, #tpu.memory_space<hbm>>
    tpu.enqueue_dma source(%dma_start3A_35 : memref<16xi32, #tpu.memory_space<hbm>>) target(%arg6 : memref<16xi32, #tpu.memory_space<vmem>>) target_semaphore(%arg12 : memref<!tpu.dma_semaphore, #tpu.memory_space<semaphore_mem>>)
    %dma_start3A_36 = tpu.memref_slice %arg4[%mul3A_34] : memref<64xi32, #tpu.memory_space<hbm>> -> memref<16xi32, #tpu.memory_space<hbm>>
    %dma_start3A_37 = tpu.memref_slice %arg4[%mul3A_34] : memref<64xi32, #tpu.memory_space<hbm>> -> memref<16xi32, #tpu.memory_space<hbm>>
    tpu.enqueue_dma source(%dma_start3A_37 : memref<16xi32, #tpu.memory_space<hbm>>) target(%arg7 : memref<16xi32, #tpu.memory_space<vmem>>) target_semaphore(%arg12 : memref<!tpu.dma_semaphore, #tpu.memory_space<semaphore_mem>>)
    %dma_wait3A = tpu.memref_slice %arg3[%mul3A_32] : memref<64xi32, #tpu.memory_space<hbm>> -> memref<16xi32, #tpu.memory_space<hbm>>
    %dma_wait3A_38 = tpu.memref_slice %arg3[%mul3A_32] : memref<64xi32, #tpu.memory_space<hbm>> -> memref<16xi32, #tpu.memory_space<hbm>>
    tpu.wait_dma2 semaphore(%arg12 : memref<!tpu.dma_semaphore, #tpu.memory_space<semaphore_mem>>) src(%dma_wait3A_38 : memref<16xi32, #tpu.memory_space<hbm>>) dst(%arg6 : memref<16xi32, #tpu.memory_space<vmem>>)
    %dma_wait3A_39 = tpu.memref_slice %arg4[%mul3A_34] : memref<64xi32, #tpu.memory_space<hbm>> -> memref<16xi32, #tpu.memory_space<hbm>>
    %dma_wait3A_40 = tpu.memref_slice %arg4[%mul3A_34] : memref<64xi32, #tpu.memory_space<hbm>> -> memref<16xi32, #tpu.memory_space<hbm>>
    tpu.wait_dma2 semaphore(%arg12 : memref<!tpu.dma_semaphore, #tpu.memory_space<semaphore_mem>>) src(%dma_wait3A_40 : memref<16xi32, #tpu.memory_space<hbm>>) dst(%arg7 : memref<16xi32, #tpu.memory_space<vmem>>)
    %get3A = arith.constant 0 : index
    %get3A_41 = tpu.vector_load %arg6[%get3A] {strides = array<i32>} : memref<16xi32, #tpu.memory_space<vmem>>, vector<16xi32>,
    %get3A_42 = vector.shape_cast %get3A_41 : vector<16xi32> to vector<16xi32>
    %and3A_43 = arith.constant -128 : i32
    %and3A_44 = vector.broadcast %and3A_43 : i32 to vector<16xi32>
    %and3A_45 = arith.andi %get3A_42, %and3A_44 : vector<16xi32>
    %mul3A_46 = arith.constant 2048 : i32
    %mul3A_47 = arith.muli %select_n3A, %mul3A_46 : i32
    %get3A_48 = arith.constant 0 : index
    %get3A_49 = tpu.vector_load %arg7[%get3A_48] {strides = array<i32>} : memref<16xi32, #tpu.memory_space<vmem>>, vector<16xi32>,
    %get3A_50 = vector.shape_cast %get3A_49 : vector<16xi32> to vector<16xi32>
    %and3A_51 = arith.constant -8 : i32
    %and3A_52 = vector.broadcast %and3A_51 : i32 to vector<16xi32>
    %and3A_53 = arith.andi %get3A_50, %and3A_52 : vector<16xi32>
    %add3A_54 = vector.broadcast %mul3A_47 : i32 to vector<16xi32>
    %add3A_55 = arith.addi %add3A_54, %and3A_53 : vector<16xi32>
    %get3A_56 = arith.constant 0 : index
    %get3A_57 = tpu.vector_load %arg7[%get3A_56] {strides = array<i32>} : memref<16xi32, #tpu.memory_space<vmem>>, vector<16xi32>,
    %get3A_58 = vector.shape_cast %get3A_57 : vector<16xi32> to vector<16xi32>
    %and3A_59 = arith.constant 7 : i32
    %and3A_60 = vector.broadcast %and3A_59 : i32 to vector<16xi32>
    %and3A_61 = arith.andi %get3A_58, %and3A_60 : vector<16xi32>
    %slice3A = vector.extract_strided_slice %add3A_55 {offsets = [0], sizes = [1], strides = [1]} : vector<16xi32> to vector<1xi32>
    %squeeze3A = vector.extract %slice3A[0] : i32 from vector<1xi32>
    %multiple_of3A = tpu.assume_multiple %squeeze3A, 8 : i32
    %slice3A_62 = vector.extract_strided_slice %and3A_45 {offsets = [0], sizes = [1], strides = [1]} : vector<16xi32> to vector<1xi32>
    %squeeze3A_63 = vector.extract %slice3A_62[0] : i32 from vector<1xi32>
    %multiple_of3A_64 = tpu.assume_multiple %squeeze3A_63, 128 : i32
    %slice3A_65 = vector.extract_strided_slice %add3A_55 {offsets = [1], sizes = [1], strides = [1]} : vector<16xi32> to vector<1xi32>
    %squeeze3A_66 = vector.extract %slice3A_65[0] : i32 from vector<1xi32>
    %multiple_of3A_67 = tpu.assume_multiple %squeeze3A_66, 8 : i32
    %slice3A_68 = vector.extract_strided_slice %and3A_45 {offsets = [1], sizes = [1], strides = [1]} : vector<16xi32> to vector<1xi32>
    %squeeze3A_69 = vector.extract %slice3A_68[0] : i32 from vector<1xi32>
    %multiple_of3A_70 = tpu.assume_multiple %squeeze3A_69, 128 : i32
    %slice3A_71 = vector.extract_strided_slice %add3A_55 {offsets = [2], sizes = [1], strides = [1]} : vector<16xi32> to vector<1xi32>
    %squeeze3A_72 = vector.extract %slice3A_71[0] : i32 from vector<1xi32>
    %multiple_of3A_73 = tpu.assume_multiple %squeeze3A_72, 8 : i32
    %slice3A_74 = vector.extract_strided_slice %and3A_45 {offsets = [2], sizes = [1], strides = [1]} : vector<16xi32> to vector<1xi32>
    %squeeze3A_75 = vector.extract %slice3A_74[0] : i32 from vector<1xi32>
    %multiple_of3A_76 = tpu.assume_multiple %squeeze3A_75, 128 : i32
    %slice3A_77 = vector.extract_strided_slice %add3A_55 {offsets = [3], sizes = [1], strides = [1]} : vector<16xi32> to vector<1xi32>
    %squeeze3A_78 = vector.extract %slice3A_77[0] : i32 from vector<1xi32>
    %multiple_of3A_79 = tpu.assume_multiple %squeeze3A_78, 8 : i32
    %slice3A_80 = vector.extract_strided_slice %and3A_45 {offsets = [3], sizes = [1], strides = [1]} : vector<16xi32> to vector<1xi32>
    %squeeze3A_81 = vector.extract %slice3A_80[0] : i32 from vector<1xi32>
    %multiple_of3A_82 = tpu.assume_multiple %squeeze3A_81, 128 : i32
    %slice3A_83 = vector.extract_strided_slice %add3A_55 {offsets = [4], sizes = [1], strides = [1]} : vector<16xi32> to vector<1xi32>
    %squeeze3A_84 = vector.extract %slice3A_83[0] : i32 from vector<1xi32>
    %multiple_of3A_85 = tpu.assume_multiple %squeeze3A_84, 8 : i32
    %slice3A_86 = vector.extract_strided_slice %and3A_45 {offsets = [4], sizes = [1], strides = [1]} : vector<16xi32> to vector<1xi32>
    %squeeze3A_87 = vector.extract %slice3A_86[0] : i32 from vector<1xi32>
    %multiple_of3A_88 = tpu.assume_multiple %squeeze3A_87, 128 : i32
    %slice3A_89 = vector.extract_strided_slice %add3A_55 {offsets = [5], sizes = [1], strides = [1]} : vector<16xi32> to vector<1xi32>
    %squeeze3A_90 = vector.extract %slice3A_89[0] : i32 from vector<1xi32>
    %multiple_of3A_91 = tpu.assume_multiple %squeeze3A_90, 8 : i32
    %slice3A_92 = vector.extract_strided_slice %and3A_45 {offsets = [5], sizes = [1], strides = [1]} : vector<16xi32> to vector<1xi32>
    %squeeze3A_93 = vector.extract %slice3A_92[0] : i32 from vector<1xi32>
    %multiple_of3A_94 = tpu.assume_multiple %squeeze3A_93, 128 : i32
    %slice3A_95 = vector.extract_strided_slice %add3A_55 {offsets = [6], sizes = [1], strides = [1]} : vector<16xi32> to vector<1xi32>
    %squeeze3A_96 = vector.extract %slice3A_95[0] : i32 from vector<1xi32>
    %multiple_of3A_97 = tpu.assume_multiple %squeeze3A_96, 8 : i32
    %slice3A_98 = vector.extract_strided_slice %and3A_45 {offsets = [6], sizes = [1], strides = [1]} : vector<16xi32> to vector<1xi32>
    %squeeze3A_99 = vector.extract %slice3A_98[0] : i32 from vector<1xi32>
    %multiple_of3A_100 = tpu.assume_multiple %squeeze3A_99, 128 : i32
    %slice3A_101 = vector.extract_strided_slice %add3A_55 {offsets = [7], sizes = [1], strides = [1]} : vector<16xi32> to vector<1xi32>
    %squeeze3A_102 = vector.extract %slice3A_101[0] : i32 from vector<1xi32>
    %multiple_of3A_103 = tpu.assume_multiple %squeeze3A_102, 8 : i32
    %slice3A_104 = vector.extract_strided_slice %and3A_45 {offsets = [7], sizes = [1], strides = [1]} : vector<16xi32> to vector<1xi32>
    %squeeze3A_105 = vector.extract %slice3A_104[0] : i32 from vector<1xi32>
    %multiple_of3A_106 = tpu.assume_multiple %squeeze3A_105, 128 : i32
    %slice3A_107 = vector.extract_strided_slice %add3A_55 {offsets = [8], sizes = [1], strides = [1]} : vector<16xi32> to vector<1xi32>
    %squeeze3A_108 = vector.extract %slice3A_107[0] : i32 from vector<1xi32>
    %multiple_of3A_109 = tpu.assume_multiple %squeeze3A_108, 8 : i32
    %slice3A_110 = vector.extract_strided_slice %and3A_45 {offsets = [8], sizes = [1], strides = [1]} : vector<16xi32> to vector<1xi32>
    %squeeze3A_111 = vector.extract %slice3A_110[0] : i32 from vector<1xi32>
    %multiple_of3A_112 = tpu.assume_multiple %squeeze3A_111, 128 : i32
    %slice3A_113 = vector.extract_strided_slice %add3A_55 {offsets = [9], sizes = [1], strides = [1]} : vector<16xi32> to vector<1xi32>
    %squeeze3A_114 = vector.extract %slice3A_113[0] : i32 from vector<1xi32>
    %multiple_of3A_115 = tpu.assume_multiple %squeeze3A_114, 8 : i32
    %slice3A_116 = vector.extract_strided_slice %and3A_45 {offsets = [9], sizes = [1], strides = [1]} : vector<16xi32> to vector<1xi32>
    %squeeze3A_117 = vector.extract %slice3A_116[0] : i32 from vector<1xi32>
    %multiple_of3A_118 = tpu.assume_multiple %squeeze3A_117, 128 : i32
    %slice3A_119 = vector.extract_strided_slice %add3A_55 {offsets = [10], sizes = [1], strides = [1]} : vector<16xi32> to vector<1xi32>
    %squeeze3A_120 = vector.extract %slice3A_119[0] : i32 from vector<1xi32>
    %multiple_of3A_121 = tpu.assume_multiple %squeeze3A_120, 8 : i32
    %slice3A_122 = vector.extract_strided_slice %and3A_45 {offsets = [10], sizes = [1], strides = [1]} : vector<16xi32> to vector<1xi32>
    %squeeze3A_123 = vector.extract %slice3A_122[0] : i32 from vector<1xi32>
    %multiple_of3A_124 = tpu.assume_multiple %squeeze3A_123, 128 : i32
    %slice3A_125 = vector.extract_strided_slice %add3A_55 {offsets = [11], sizes = [1], strides = [1]} : vector<16xi32> to vector<1xi32>
    %squeeze3A_126 = vector.extract %slice3A_125[0] : i32 from vector<1xi32>
    %multiple_of3A_127 = tpu.assume_multiple %squeeze3A_126, 8 : i32
    %slice3A_128 = vector.extract_strided_slice %and3A_45 {offsets = [11], sizes = [1], strides = [1]} : vector<16xi32> to vector<1xi32>
    %squeeze3A_129 = vector.extract %slice3A_128[0] : i32 from vector<1xi32>
    %multiple_of3A_130 = tpu.assume_multiple %squeeze3A_129, 128 : i32
    %slice3A_131 = vector.extract_strided_slice %add3A_55 {offsets = [12], sizes = [1], strides = [1]} : vector<16xi32> to vector<1xi32>
    %squeeze3A_132 = vector.extract %slice3A_131[0] : i32 from vector<1xi32>
    %multiple_of3A_133 = tpu.assume_multiple %squeeze3A_132, 8 : i32
    %slice3A_134 = vector.extract_strided_slice %and3A_45 {offsets = [12], sizes = [1], strides = [1]} : vector<16xi32> to vector<1xi32>
    %squeeze3A_135 = vector.extract %slice3A_134[0] : i32 from vector<1xi32>
    %multiple_of3A_136 = tpu.assume_multiple %squeeze3A_135, 128 : i32
    %slice3A_137 = vector.extract_strided_slice %add3A_55 {offsets = [13], sizes = [1], strides = [1]} : vector<16xi32> to vector<1xi32>
    %squeeze3A_138 = vector.extract %slice3A_137[0] : i32 from vector<1xi32>
    %multiple_of3A_139 = tpu.assume_multiple %squeeze3A_138, 8 : i32
    %slice3A_140 = vector.extract_strided_slice %and3A_45 {offsets = [13], sizes = [1], strides = [1]} : vector<16xi32> to vector<1xi32>
    %squeeze3A_141 = vector.extract %slice3A_140[0] : i32 from vector<1xi32>
    %multiple_of3A_142 = tpu.assume_multiple %squeeze3A_141, 128 : i32
    %slice3A_143 = vector.extract_strided_slice %add3A_55 {offsets = [14], sizes = [1], strides = [1]} : vector<16xi32> to vector<1xi32>
    %squeeze3A_144 = vector.extract %slice3A_143[0] : i32 from vector<1xi32>
    %multiple_of3A_145 = tpu.assume_multiple %squeeze3A_144, 8 : i32
    %slice3A_146 = vector.extract_strided_slice %and3A_45 {offsets = [14], sizes = [1], strides = [1]} : vector<16xi32> to vector<1xi32>
    %squeeze3A_147 = vector.extract %slice3A_146[0] : i32 from vector<1xi32>
    %multiple_of3A_148 = tpu.assume_multiple %squeeze3A_147, 128 : i32
    %slice3A_149 = vector.extract_strided_slice %add3A_55 {offsets = [15], sizes = [1], strides = [1]} : vector<16xi32> to vector<1xi32>
    %squeeze3A_150 = vector.extract %slice3A_149[0] : i32 from vector<1xi32>
    %multiple_of3A_151 = tpu.assume_multiple %squeeze3A_150, 8 : i32
    %slice3A_152 = vector.extract_strided_slice %and3A_45 {offsets = [15], sizes = [1], strides = [1]} : vector<16xi32> to vector<1xi32>
    %squeeze3A_153 = vector.extract %slice3A_152[0] : i32 from vector<1xi32>
    %multiple_of3A_154 = tpu.assume_multiple %squeeze3A_153, 128 : i32
    %dma_start3A_155 = arith.constant 0 : i32
    %dma_start3A_156 = arith.constant 0 : i32
    %dma_start3A_157 = tpu.memref_slice %arg8[%dma_start3A_155, %dma_start3A_156] : memref<128x128xf32, #tpu.memory_space<vmem>> -> memref<8x128xf32, #tpu.memory_space<vmem>>
    %dma_start3A_158 = tpu.memref_slice %arg2[%multiple_of3A, %multiple_of3A_64] : memref<16384x2048xf32, #tpu.memory_space<hbm>> -> memref<8x128xf32, #tpu.memory_space<hbm>>
    %dma_start3A_159 = arith.constant 0 : i32
    %dma_start3A_160 = arith.constant 0 : i32
    %dma_start3A_161 = tpu.memref_slice %arg8[%dma_start3A_159, %dma_start3A_160] : memref<128x128xf32, #tpu.memory_space<vmem>> -> memref<8x128xf32, #tpu.memory_space<vmem>>
    %dma_start3A_162 = tpu.memref_slice %arg2[%multiple_of3A, %multiple_of3A_64] : memref<16384x2048xf32, #tpu.memory_space<hbm>> -> memref<8x128xf32, #tpu.memory_space<hbm>>
    tpu.enqueue_dma source(%dma_start3A_162 : memref<8x128xf32, #tpu.memory_space<hbm>>) target(%dma_start3A_161 : memref<8x128xf32, #tpu.memory_space<vmem>>) target_semaphore(%arg11 : memref<!tpu.dma_semaphore, #tpu.memory_space<semaphore_mem>>)
    %dma_start3A_163 = arith.constant 8 : i32
    %dma_start3A_164 = arith.constant 0 : i32
    %dma_start3A_165 = tpu.memref_slice %arg8[%dma_start3A_163, %dma_start3A_164] : memref<128x128xf32, #tpu.memory_space<vmem>> -> memref<8x128xf32, #tpu.memory_space<vmem>>
    %dma_start3A_166 = tpu.memref_slice %arg2[%multiple_of3A_67, %multiple_of3A_70] : memref<16384x2048xf32, #tpu.memory_space<hbm>> -> memref<8x128xf32, #tpu.memory_space<hbm>>
    %dma_start3A_167 = arith.constant 8 : i32
    %dma_start3A_168 = arith.constant 0 : i32
    %dma_start3A_169 = tpu.memref_slice %arg8[%dma_start3A_167, %dma_start3A_168] : memref<128x128xf32, #tpu.memory_space<vmem>> -> memref<8x128xf32, #tpu.memory_space<vmem>>
    %dma_start3A_170 = tpu.memref_slice %arg2[%multiple_of3A_67, %multiple_of3A_70] : memref<16384x2048xf32, #tpu.memory_space<hbm>> -> memref<8x128xf32, #tpu.memory_space<hbm>>
    tpu.enqueue_dma source(%dma_start3A_170 : memref<8x128xf32, #tpu.memory_space<hbm>>) target(%dma_start3A_169 : memref<8x128xf32, #tpu.memory_space<vmem>>) target_semaphore(%arg11 : memref<!tpu.dma_semaphore, #tpu.memory_space<semaphore_mem>>)
    %dma_start3A_171 = arith.constant 16 : i32
    %dma_start3A_172 = arith.constant 0 : i32
    %dma_start3A_173 = tpu.memref_slice %arg8[%dma_start3A_171, %dma_start3A_172] : memref<128x128xf32, #tpu.memory_space<vmem>> -> memref<8x128xf32, #tpu.memory_space<vmem>>
    %dma_start3A_174 = tpu.memref_slice %arg2[%multiple_of3A_73, %multiple_of3A_76] : memref<16384x2048xf32, #tpu.memory_space<hbm>> -> memref<8x128xf32, #tpu.memory_space<hbm>>
    %dma_start3A_175 = arith.constant 16 : i32
    %dma_start3A_176 = arith.constant 0 : i32
    %dma_start3A_177 = tpu.memref_slice %arg8[%dma_start3A_175, %dma_start3A_176] : memref<128x128xf32, #tpu.memory_space<vmem>> -> memref<8x128xf32, #tpu.memory_space<vmem>>
    %dma_start3A_178 = tpu.memref_slice %arg2[%multiple_of3A_73, %multiple_of3A_76] : memref<16384x2048xf32, #tpu.memory_space<hbm>> -> memref<8x128xf32, #tpu.memory_space<hbm>>
    tpu.enqueue_dma source(%dma_start3A_178 : memref<8x128xf32, #tpu.memory_space<hbm>>) target(%dma_start3A_177 : memref<8x128xf32, #tpu.memory_space<vmem>>) target_semaphore(%arg11 : memref<!tpu.dma_semaphore, #tpu.memory_space<semaphore_mem>>)
    %dma_start3A_179 = arith.constant 24 : i32
    %dma_start3A_180 = arith.constant 0 : i32
    %dma_start3A_181 = tpu.memref_slice %arg8[%dma_start3A_179, %dma_start3A_180] : memref<128x128xf32, #tpu.memory_space<vmem>> -> memref<8x128xf32, #tpu.memory_space<vmem>>
    %dma_start3A_182 = tpu.memref_slice %arg2[%multiple_of3A_79, %multiple_of3A_82] : memref<16384x2048xf32, #tpu.memory_space<hbm>> -> memref<8x128xf32, #tpu.memory_space<hbm>>
    %dma_start3A_183 = arith.constant 24 : i32
    %dma_start3A_184 = arith.constant 0 : i32
    %dma_start3A_185 = tpu.memref_slice %arg8[%dma_start3A_183, %dma_start3A_184] : memref<128x128xf32, #tpu.memory_space<vmem>> -> memref<8x128xf32, #tpu.memory_space<vmem>>
    %dma_start3A_186 = tpu.memref_slice %arg2[%multiple_of3A_79, %multiple_of3A_82] : memref<16384x2048xf32, #tpu.memory_space<hbm>> -> memref<8x128xf32, #tpu.memory_space<hbm>>
    tpu.enqueue_dma source(%dma_start3A_186 : memref<8x128xf32, #tpu.memory_space<hbm>>) target(%dma_start3A_185 : memref<8x128xf32, #tpu.memory_space<vmem>>) target_semaphore(%arg11 : memref<!tpu.dma_semaphore, #tpu.memory_space<semaphore_mem>>)
    %dma_start3A_187 = arith.constant 32 : i32
    %dma_start3A_188 = arith.constant 0 : i32
    %dma_start3A_189 = tpu.memref_slice %arg8[%dma_start3A_187, %dma_start3A_188] : memref<128x128xf32, #tpu.memory_space<vmem>> -> memref<8x128xf32, #tpu.memory_space<vmem>>
    %dma_start3A_190 = tpu.memref_slice %arg2[%multiple_of3A_85, %multiple_of3A_88] : memref<16384x2048xf32, #tpu.memory_space<hbm>> -> memref<8x128xf32, #tpu.memory_space<hbm>>
    %dma_start3A_191 = arith.constant 32 : i32
    %dma_start3A_192 = arith.constant 0 : i32
    %dma_start3A_193 = tpu.memref_slice %arg8[%dma_start3A_191, %dma_start3A_192] : memref<128x128xf32, #tpu.memory_space<vmem>> -> memref<8x128xf32, #tpu.memory_space<vmem>>
    %dma_start3A_194 = tpu.memref_slice %arg2[%multiple_of3A_85, %multiple_of3A_88] : memref<16384x2048xf32, #tpu.memory_space<hbm>> -> memref<8x128xf32, #tpu.memory_space<hbm>>
    tpu.enqueue_dma source(%dma_start3A_194 : memref<8x128xf32, #tpu.memory_space<hbm>>) target(%dma_start3A_193 : memref<8x128xf32, #tpu.memory_space<vmem>>) target_semaphore(%arg11 : memref<!tpu.dma_semaphore, #tpu.memory_space<semaphore_mem>>)
    %dma_start3A_195 = arith.constant 40 : i32
    %dma_start3A_196 = arith.constant 0 : i32
    %dma_start3A_197 = tpu.memref_slice %arg8[%dma_start3A_195, %dma_start3A_196] : memref<128x128xf32, #tpu.memory_space<vmem>> -> memref<8x128xf32, #tpu.memory_space<vmem>>
    %dma_start3A_198 = tpu.memref_slice %arg2[%multiple_of3A_91, %multiple_of3A_94] : memref<16384x2048xf32, #tpu.memory_space<hbm>> -> memref<8x128xf32, #tpu.memory_space<hbm>>
    %dma_start3A_199 = arith.constant 40 : i32
    %dma_start3A_200 = arith.constant 0 : i32
    %dma_start3A_201 = tpu.memref_slice %arg8[%dma_start3A_199, %dma_start3A_200] : memref<128x128xf32, #tpu.memory_space<vmem>> -> memref<8x128xf32, #tpu.memory_space<vmem>>
    %dma_start3A_202 = tpu.memref_slice %arg2[%multiple_of3A_91, %multiple_of3A_94] : memref<16384x2048xf32, #tpu.memory_space<hbm>> -> memref<8x128xf32, #tpu.memory_space<hbm>>
    tpu.enqueue_dma source(%dma_start3A_202 : memref<8x128xf32, #tpu.memory_space<hbm>>) target(%dma_start3A_201 : memref<8x128xf32, #tpu.memory_space<vmem>>) target_semaphore(%arg11 : memref<!tpu.dma_semaphore, #tpu.memory_space<semaphore_mem>>)
    %dma_start3A_203 = arith.constant 48 : i32
    %dma_start3A_204 = arith.constant 0 : i32
    %dma_start3A_205 = tpu.memref_slice %arg8[%dma_start3A_203, %dma_start3A_204] : memref<128x128xf32, #tpu.memory_space<vmem>> -> memref<8x128xf32, #tpu.memory_space<vmem>>
    %dma_start3A_206 = tpu.memref_slice %arg2[%multiple_of3A_97, %multiple_of3A_100] : memref<16384x2048xf32, #tpu.memory_space<hbm>> -> memref<8x128xf32, #tpu.memory_space<hbm>>
    %dma_start3A_207 = arith.constant 48 : i32
    %dma_start3A_208 = arith.constant 0 : i32
    %dma_start3A_209 = tpu.memref_slice %arg8[%dma_start3A_207, %dma_start3A_208] : memref<128x128xf32, #tpu.memory_space<vmem>> -> memref<8x128xf32, #tpu.memory_space<vmem>>
    %dma_start3A_210 = tpu.memref_slice %arg2[%multiple_of3A_97, %multiple_of3A_100] : memref<16384x2048xf32, #tpu.memory_space<hbm>> -> memref<8x128xf32, #tpu.memory_space<hbm>>
    tpu.enqueue_dma source(%dma_start3A_210 : memref<8x128xf32, #tpu.memory_space<hbm>>) target(%dma_start3A_209 : memref<8x128xf32, #tpu.memory_space<vmem>>) target_semaphore(%arg11 : memref<!tpu.dma_semaphore, #tpu.memory_space<semaphore_mem>>)
    %dma_start3A_211 = arith.constant 56 : i32
    %dma_start3A_212 = arith.constant 0 : i32
    %dma_start3A_213 = tpu.memref_slice %arg8[%dma_start3A_211, %dma_start3A_212] : memref<128x128xf32, #tpu.memory_space<vmem>> -> memref<8x128xf32, #tpu.memory_space<vmem>>
    %dma_start3A_214 = tpu.memref_slice %arg2[%multiple_of3A_103, %multiple_of3A_106] : memref<16384x2048xf32, #tpu.memory_space<hbm>> -> memref<8x128xf32, #tpu.memory_space<hbm>>
    %dma_start3A_215 = arith.constant 56 : i32
    %dma_start3A_216 = arith.constant 0 : i32
    %dma_start3A_217 = tpu.memref_slice %arg8[%dma_start3A_215, %dma_start3A_216] : memref<128x128xf32, #tpu.memory_space<vmem>> -> memref<8x128xf32, #tpu.memory_space<vmem>>
    %dma_start3A_218 = tpu.memref_slice %arg2[%multiple_of3A_103, %multiple_of3A_106] : memref<16384x2048xf32, #tpu.memory_space<hbm>> -> memref<8x128xf32, #tpu.memory_space<hbm>>
    tpu.enqueue_dma source(%dma_start3A_218 : memref<8x128xf32, #tpu.memory_space<hbm>>) target(%dma_start3A_217 : memref<8x128xf32, #tpu.memory_space<vmem>>) target_semaphore(%arg11 : memref<!tpu.dma_semaphore, #tpu.memory_space<semaphore_mem>>)
    %dma_start3A_219 = arith.constant 64 : i32
    %dma_start3A_220 = arith.constant 0 : i32
    %dma_start3A_221 = tpu.memref_slice %arg8[%dma_start3A_219, %dma_start3A_220] : memref<128x128xf32, #tpu.memory_space<vmem>> -> memref<8x128xf32, #tpu.memory_space<vmem>>
    %dma_start3A_222 = tpu.memref_slice %arg2[%multiple_of3A_109, %multiple_of3A_112] : memref<16384x2048xf32, #tpu.memory_space<hbm>> -> memref<8x128xf32, #tpu.memory_space<hbm>>
    %dma_start3A_223 = arith.constant 64 : i32
    %dma_start3A_224 = arith.constant 0 : i32
    %dma_start3A_225 = tpu.memref_slice %arg8[%dma_start3A_223, %dma_start3A_224] : memref<128x128xf32, #tpu.memory_space<vmem>> -> memref<8x128xf32, #tpu.memory_space<vmem>>
    %dma_start3A_226 = tpu.memref_slice %arg2[%multiple_of3A_109, %multiple_of3A_112] : memref<16384x2048xf32, #tpu.memory_space<hbm>> -> memref<8x128xf32, #tpu.memory_space<hbm>>
    tpu.enqueue_dma source(%dma_start3A_226 : memref<8x128xf32, #tpu.memory_space<hbm>>) target(%dma_start3A_225 : memref<8x128xf32, #tpu.memory_space<vmem>>) target_semaphore(%arg11 : memref<!tpu.dma_semaphore, #tpu.memory_space<semaphore_mem>>)
    %dma_start3A_227 = arith.constant 72 : i32
    %dma_start3A_228 = arith.constant 0 : i32
    %dma_start3A_229 = tpu.memref_slice %arg8[%dma_start3A_227, %dma_start3A_228] : memref<128x128xf32, #tpu.memory_space<vmem>> -> memref<8x128xf32, #tpu.memory_space<vmem>>
    %dma_start3A_230 = tpu.memref_slice %arg2[%multiple_of3A_115, %multiple_of3A_118] : memref<16384x2048xf32, #tpu.memory_space<hbm>> -> memref<8x128xf32, #tpu.memory_space<hbm>>
    %dma_start3A_231 = arith.constant 72 : i32
    %dma_start3A_232 = arith.constant 0 : i32
    %dma_start3A_233 = tpu.memref_slice %arg8[%dma_start3A_231, %dma_start3A_232] : memref<128x128xf32, #tpu.memory_space<vmem>> -> memref<8x128xf32, #tpu.memory_space<vmem>>
    %dma_start3A_234 = tpu.memref_slice %arg2[%multiple_of3A_115, %multiple_of3A_118] : memref<16384x2048xf32, #tpu.memory_space<hbm>> -> memref<8x128xf32, #tpu.memory_space<hbm>>
    tpu.enqueue_dma source(%dma_start3A_234 : memref<8x128xf32, #tpu.memory_space<hbm>>) target(%dma_start3A_233 : memref<8x128xf32, #tpu.memory_space<vmem>>) target_semaphore(%arg11 : memref<!tpu.dma_semaphore, #tpu.memory_space<semaphore_mem>>)
    %dma_start3A_235 = arith.constant 80 : i32
    %dma_start3A_236 = arith.constant 0 : i32
    %dma_start3A_237 = tpu.memref_slice %arg8[%dma_start3A_235, %dma_start3A_236] : memref<128x128xf32, #tpu.memory_space<vmem>> -> memref<8x128xf32, #tpu.memory_space<vmem>>
    %dma_start3A_238 = tpu.memref_slice %arg2[%multiple_of3A_121, %multiple_of3A_124] : memref<16384x2048xf32, #tpu.memory_space<hbm>> -> memref<8x128xf32, #tpu.memory_space<hbm>>
    %dma_start3A_239 = arith.constant 80 : i32
    %dma_start3A_240 = arith.constant 0 : i32
    %dma_start3A_241 = tpu.memref_slice %arg8[%dma_start3A_239, %dma_start3A_240] : memref<128x128xf32, #tpu.memory_space<vmem>> -> memref<8x128xf32, #tpu.memory_space<vmem>>
    %dma_start3A_242 = tpu.memref_slice %arg2[%multiple_of3A_121, %multiple_of3A_124] : memref<16384x2048xf32, #tpu.memory_space<hbm>> -> memref<8x128xf32, #tpu.memory_space<hbm>>
    tpu.enqueue_dma source(%dma_start3A_242 : memref<8x128xf32, #tpu.memory_space<hbm>>) target(%dma_start3A_241 : memref<8x128xf32, #tpu.memory_space<vmem>>) target_semaphore(%arg11 : memref<!tpu.dma_semaphore, #tpu.memory_space<semaphore_mem>>)
    %dma_start3A_243 = arith.constant 88 : i32
    %dma_start3A_244 = arith.constant 0 : i32
    %dma_start3A_245 = tpu.memref_slice %arg8[%dma_start3A_243, %dma_start3A_244] : memref<128x128xf32, #tpu.memory_space<vmem>> -> memref<8x128xf32, #tpu.memory_space<vmem>>
    %dma_start3A_246 = tpu.memref_slice %arg2[%multiple_of3A_127, %multiple_of3A_130] : memref<16384x2048xf32, #tpu.memory_space<hbm>> -> memref<8x128xf32, #tpu.memory_space<hbm>>
    %dma_start3A_247 = arith.constant 88 : i32
    %dma_start3A_248 = arith.constant 0 : i32
    %dma_start3A_249 = tpu.memref_slice %arg8[%dma_start3A_247, %dma_start3A_248] : memref<128x128xf32, #tpu.memory_space<vmem>> -> memref<8x128xf32, #tpu.memory_space<vmem>>
    %dma_start3A_250 = tpu.memref_slice %arg2[%multiple_of3A_127, %multiple_of3A_130] : memref<16384x2048xf32, #tpu.memory_space<hbm>> -> memref<8x128xf32, #tpu.memory_space<hbm>>
    tpu.enqueue_dma source(%dma_start3A_250 : memref<8x128xf32, #tpu.memory_space<hbm>>) target(%dma_start3A_249 : memref<8x128xf32, #tpu.memory_space<vmem>>) target_semaphore(%arg11 : memref<!tpu.dma_semaphore, #tpu.memory_space<semaphore_mem>>)
    %dma_start3A_251 = arith.constant 96 : i32
    %dma_start3A_252 = arith.constant 0 : i32
    %dma_start3A_253 = tpu.memref_slice %arg8[%dma_start3A_251, %dma_start3A_252] : memref<128x128xf32, #tpu.memory_space<vmem>> -> memref<8x128xf32, #tpu.memory_space<vmem>>
    %dma_start3A_254 = tpu.memref_slice %arg2[%multiple_of3A_133, %multiple_of3A_136] : memref<16384x2048xf32, #tpu.memory_space<hbm>> -> memref<8x128xf32, #tpu.memory_space<hbm>>
    %dma_start3A_255 = arith.constant 96 : i32
    %dma_start3A_256 = arith.constant 0 : i32
    %dma_start3A_257 = tpu.memref_slice %arg8[%dma_start3A_255, %dma_start3A_256] : memref<128x128xf32, #tpu.memory_space<vmem>> -> memref<8x128xf32, #tpu.memory_space<vmem>>
    %dma_start3A_258 = tpu.memref_slice %arg2[%multiple_of3A_133, %multiple_of3A_136] : memref<16384x2048xf32, #tpu.memory_space<hbm>> -> memref<8x128xf32, #tpu.memory_space<hbm>>
    tpu.enqueue_dma source(%dma_start3A_258 : memref<8x128xf32, #tpu.memory_space<hbm>>) target(%dma_start3A_257 : memref<8x128xf32, #tpu.memory_space<vmem>>) target_semaphore(%arg11 : memref<!tpu.dma_semaphore, #tpu.memory_space<semaphore_mem>>)
    %dma_start3A_259 = arith.constant 104 : i32
    %dma_start3A_260 = arith.constant 0 : i32
    %dma_start3A_261 = tpu.memref_slice %arg8[%dma_start3A_259, %dma_start3A_260] : memref<128x128xf32, #tpu.memory_space<vmem>> -> memref<8x128xf32, #tpu.memory_space<vmem>>
    %dma_start3A_262 = tpu.memref_slice %arg2[%multiple_of3A_139, %multiple_of3A_142] : memref<16384x2048xf32, #tpu.memory_space<hbm>> -> memref<8x128xf32, #tpu.memory_space<hbm>>
    %dma_start3A_263 = arith.constant 104 : i32
    %dma_start3A_264 = arith.constant 0 : i32
    %dma_start3A_265 = tpu.memref_slice %arg8[%dma_start3A_263, %dma_start3A_264] : memref<128x128xf32, #tpu.memory_space<vmem>> -> memref<8x128xf32, #tpu.memory_space<vmem>>
    %dma_start3A_266 = tpu.memref_slice %arg2[%multiple_of3A_139, %multiple_of3A_142] : memref<16384x2048xf32, #tpu.memory_space<hbm>> -> memref<8x128xf32, #tpu.memory_space<hbm>>
    tpu.enqueue_dma source(%dma_start3A_266 : memref<8x128xf32, #tpu.memory_space<hbm>>) target(%dma_start3A_265 : memref<8x128xf32, #tpu.memory_space<vmem>>) target_semaphore(%arg11 : memref<!tpu.dma_semaphore, #tpu.memory_space<semaphore_mem>>)
    %dma_start3A_267 = arith.constant 112 : i32
    %dma_start3A_268 = arith.constant 0 : i32
    %dma_start3A_269 = tpu.memref_slice %arg8[%dma_start3A_267, %dma_start3A_268] : memref<128x128xf32, #tpu.memory_space<vmem>> -> memref<8x128xf32, #tpu.memory_space<vmem>>
    %dma_start3A_270 = tpu.memref_slice %arg2[%multiple_of3A_145, %multiple_of3A_148] : memref<16384x2048xf32, #tpu.memory_space<hbm>> -> memref<8x128xf32, #tpu.memory_space<hbm>>
    %dma_start3A_271 = arith.constant 112 : i32
    %dma_start3A_272 = arith.constant 0 : i32
    %dma_start3A_273 = tpu.memref_slice %arg8[%dma_start3A_271, %dma_start3A_272] : memref<128x128xf32, #tpu.memory_space<vmem>> -> memref<8x128xf32, #tpu.memory_space<vmem>>
    %dma_start3A_274 = tpu.memref_slice %arg2[%multiple_of3A_145, %multiple_of3A_148] : memref<16384x2048xf32, #tpu.memory_space<hbm>> -> memref<8x128xf32, #tpu.memory_space<hbm>>
    tpu.enqueue_dma source(%dma_start3A_274 : memref<8x128xf32, #tpu.memory_space<hbm>>) target(%dma_start3A_273 : memref<8x128xf32, #tpu.memory_space<vmem>>) target_semaphore(%arg11 : memref<!tpu.dma_semaphore, #tpu.memory_space<semaphore_mem>>)
    %dma_start3A_275 = arith.constant 120 : i32
    %dma_start3A_276 = arith.constant 0 : i32
    %dma_start3A_277 = tpu.memref_slice %arg8[%dma_start3A_275, %dma_start3A_276] : memref<128x128xf32, #tpu.memory_space<vmem>> -> memref<8x128xf32, #tpu.memory_space<vmem>>
    %dma_start3A_278 = tpu.memref_slice %arg2[%multiple_of3A_151, %multiple_of3A_154] : memref<16384x2048xf32, #tpu.memory_space<hbm>> -> memref<8x128xf32, #tpu.memory_space<hbm>>
    %dma_start3A_279 = arith.constant 120 : i32
    %dma_start3A_280 = arith.constant 0 : i32
    %dma_start3A_281 = tpu.memref_slice %arg8[%dma_start3A_279, %dma_start3A_280] : memref<128x128xf32, #tpu.memory_space<vmem>> -> memref<8x128xf32, #tpu.memory_space<vmem>>
    %dma_start3A_282 = tpu.memref_slice %arg2[%multiple_of3A_151, %multiple_of3A_154] : memref<16384x2048xf32, #tpu.memory_space<hbm>> -> memref<8x128xf32, #tpu.memory_space<hbm>>
    tpu.enqueue_dma source(%dma_start3A_282 : memref<8x128xf32, #tpu.memory_space<hbm>>) target(%dma_start3A_281 : memref<8x128xf32, #tpu.memory_space<vmem>>) target_semaphore(%arg11 : memref<!tpu.dma_semaphore, #tpu.memory_space<semaphore_mem>>)
    %dma_wait3A_283 = arith.constant 0 : i32
    %dma_wait3A_284 = arith.constant 0 : i32
    %dma_wait3A_285 = tpu.memref_slice %arg8[%dma_wait3A_283, %dma_wait3A_284] : memref<128x128xf32, #tpu.memory_space<vmem>> -> memref<8x128xf32, #tpu.memory_space<vmem>>
    %dma_wait3A_286 = tpu.memref_slice %arg2[%multiple_of3A, %multiple_of3A_64] : memref<16384x2048xf32, #tpu.memory_space<hbm>> -> memref<8x128xf32, #tpu.memory_space<hbm>>
    %dma_wait3A_287 = arith.constant 0 : i32
    %dma_wait3A_288 = arith.constant 0 : i32
    %dma_wait3A_289 = tpu.memref_slice %arg8[%dma_wait3A_287, %dma_wait3A_288] : memref<128x128xf32, #tpu.memory_space<vmem>> -> memref<8x128xf32, #tpu.memory_space<vmem>>
    %dma_wait3A_290 = tpu.memref_slice %arg2[%multiple_of3A, %multiple_of3A_64] : memref<16384x2048xf32, #tpu.memory_space<hbm>> -> memref<8x128xf32, #tpu.memory_space<hbm>>
    tpu.wait_dma2 semaphore(%arg11 : memref<!tpu.dma_semaphore, #tpu.memory_space<semaphore_mem>>) src(%dma_wait3A_290 : memref<8x128xf32, #tpu.memory_space<hbm>>) dst(%dma_wait3A_289 : memref<8x128xf32, #tpu.memory_space<vmem>>)
    %dma_wait3A_291 = arith.constant 8 : i32
    %dma_wait3A_292 = arith.constant 0 : i32
    %dma_wait3A_293 = tpu.memref_slice %arg8[%dma_wait3A_291, %dma_wait3A_292] : memref<128x128xf32, #tpu.memory_space<vmem>> -> memref<8x128xf32, #tpu.memory_space<vmem>>
    %dma_wait3A_294 = tpu.memref_slice %arg2[%multiple_of3A_67, %multiple_of3A_70] : memref<16384x2048xf32, #tpu.memory_space<hbm>> -> memref<8x128xf32, #tpu.memory_space<hbm>>
    %dma_wait3A_295 = arith.constant 8 : i32
    %dma_wait3A_296 = arith.constant 0 : i32
    %dma_wait3A_297 = tpu.memref_slice %arg8[%dma_wait3A_295, %dma_wait3A_296] : memref<128x128xf32, #tpu.memory_space<vmem>> -> memref<8x128xf32, #tpu.memory_space<vmem>>
    %dma_wait3A_298 = tpu.memref_slice %arg2[%multiple_of3A_67, %multiple_of3A_70] : memref<16384x2048xf32, #tpu.memory_space<hbm>> -> memref<8x128xf32, #tpu.memory_space<hbm>>
    tpu.wait_dma2 semaphore(%arg11 : memref<!tpu.dma_semaphore, #tpu.memory_space<semaphore_mem>>) src(%dma_wait3A_298 : memref<8x128xf32, #tpu.memory_space<hbm>>) dst(%dma_wait3A_297 : memref<8x128xf32, #tpu.memory_space<vmem>>)
    %dma_wait3A_299 = arith.constant 16 : i32
    %dma_wait3A_300 = arith.constant 0 : i32
    %dma_wait3A_301 = tpu.memref_slice %arg8[%dma_wait3A_299, %dma_wait3A_300] : memref<128x128xf32, #tpu.memory_space<vmem>> -> memref<8x128xf32, #tpu.memory_space<vmem>>
    %dma_wait3A_302 = tpu.memref_slice %arg2[%multiple_of3A_73, %multiple_of3A_76] : memref<16384x2048xf32, #tpu.memory_space<hbm>> -> memref<8x128xf32, #tpu.memory_space<hbm>>
    %dma_wait3A_303 = arith.constant 16 : i32
    %dma_wait3A_304 = arith.constant 0 : i32
    %dma_wait3A_305 = tpu.memref_slice %arg8[%dma_wait3A_303, %dma_wait3A_304] : memref<128x128xf32, #tpu.memory_space<vmem>> -> memref<8x128xf32, #tpu.memory_space<vmem>>
    %dma_wait3A_306 = tpu.memref_slice %arg2[%multiple_of3A_73, %multiple_of3A_76] : memref<16384x2048xf32, #tpu.memory_space<hbm>> -> memref<8x128xf32, #tpu.memory_space<hbm>>
    tpu.wait_dma2 semaphore(%arg11 : memref<!tpu.dma_semaphore, #tpu.memory_space<semaphore_mem>>) src(%dma_wait3A_306 : memref<8x128xf32, #tpu.memory_space<hbm>>) dst(%dma_wait3A_305 : memref<8x128xf32, #tpu.memory_space<vmem>>)
    %dma_wait3A_307 = arith.constant 24 : i32
    %dma_wait3A_308 = arith.constant 0 : i32
    %dma_wait3A_309 = tpu.memref_slice %arg8[%dma_wait3A_307, %dma_wait3A_308] : memref<128x128xf32, #tpu.memory_space<vmem>> -> memref<8x128xf32, #tpu.memory_space<vmem>>
    %dma_wait3A_310 = tpu.memref_slice %arg2[%multiple_of3A_79, %multiple_of3A_82] : memref<16384x2048xf32, #tpu.memory_space<hbm>> -> memref<8x128xf32, #tpu.memory_space<hbm>>
    %dma_wait3A_311 = arith.constant 24 : i32
    %dma_wait3A_312 = arith.constant 0 : i32
    %dma_wait3A_313 = tpu.memref_slice %arg8[%dma_wait3A_311, %dma_wait3A_312] : memref<128x128xf32, #tpu.memory_space<vmem>> -> memref<8x128xf32, #tpu.memory_space<vmem>>
    %dma_wait3A_314 = tpu.memref_slice %arg2[%multiple_of3A_79, %multiple_of3A_82] : memref<16384x2048xf32, #tpu.memory_space<hbm>> -> memref<8x128xf32, #tpu.memory_space<hbm>>
    tpu.wait_dma2 semaphore(%arg11 : memref<!tpu.dma_semaphore, #tpu.memory_space<semaphore_mem>>) src(%dma_wait3A_314 : memref<8x128xf32, #tpu.memory_space<hbm>>) dst(%dma_wait3A_313 : memref<8x128xf32, #tpu.memory_space<vmem>>)
    %dma_wait3A_315 = arith.constant 32 : i32
    %dma_wait3A_316 = arith.constant 0 : i32
    %dma_wait3A_317 = tpu.memref_slice %arg8[%dma_wait3A_315, %dma_wait3A_316] : memref<128x128xf32, #tpu.memory_space<vmem>> -> memref<8x128xf32, #tpu.memory_space<vmem>>
    %dma_wait3A_318 = tpu.memref_slice %arg2[%multiple_of3A_85, %multiple_of3A_88] : memref<16384x2048xf32, #tpu.memory_space<hbm>> -> memref<8x128xf32, #tpu.memory_space<hbm>>
    %dma_wait3A_319 = arith.constant 32 : i32
    %dma_wait3A_320 = arith.constant 0 : i32
    %dma_wait3A_321 = tpu.memref_slice %arg8[%dma_wait3A_319, %dma_wait3A_320] : memref<128x128xf32, #tpu.memory_space<vmem>> -> memref<8x128xf32, #tpu.memory_space<vmem>>
    %dma_wait3A_322 = tpu.memref_slice %arg2[%multiple_of3A_85, %multiple_of3A_88] : memref<16384x2048xf32, #tpu.memory_space<hbm>> -> memref<8x128xf32, #tpu.memory_space<hbm>>
    tpu.wait_dma2 semaphore(%arg11 : memref<!tpu.dma_semaphore, #tpu.memory_space<semaphore_mem>>) src(%dma_wait3A_322 : memref<8x128xf32, #tpu.memory_space<hbm>>) dst(%dma_wait3A_321 : memref<8x128xf32, #tpu.memory_space<vmem>>)
    %dma_wait3A_323 = arith.constant 40 : i32
    %dma_wait3A_324 = arith.constant 0 : i32
    %dma_wait3A_325 = tpu.memref_slice %arg8[%dma_wait3A_323, %dma_wait3A_324] : memref<128x128xf32, #tpu.memory_space<vmem>> -> memref<8x128xf32, #tpu.memory_space<vmem>>
    %dma_wait3A_326 = tpu.memref_slice %arg2[%multiple_of3A_91, %multiple_of3A_94] : memref<16384x2048xf32, #tpu.memory_space<hbm>> -> memref<8x128xf32, #tpu.memory_space<hbm>>
    %dma_wait3A_327 = arith.constant 40 : i32
    %dma_wait3A_328 = arith.constant 0 : i32
    %dma_wait3A_329 = tpu.memref_slice %arg8[%dma_wait3A_327, %dma_wait3A_328] : memref<128x128xf32, #tpu.memory_space<vmem>> -> memref<8x128xf32, #tpu.memory_space<vmem>>
    %dma_wait3A_330 = tpu.memref_slice %arg2[%multiple_of3A_91, %multiple_of3A_94] : memref<16384x2048xf32, #tpu.memory_space<hbm>> -> memref<8x128xf32, #tpu.memory_space<hbm>>
    tpu.wait_dma2 semaphore(%arg11 : memref<!tpu.dma_semaphore, #tpu.memory_space<semaphore_mem>>) src(%dma_wait3A_330 : memref<8x128xf32, #tpu.memory_space<hbm>>) dst(%dma_wait3A_329 : memref<8x128xf32, #tpu.memory_space<vmem>>)
    %dma_wait3A_331 = arith.constant 48 : i32
    %dma_wait3A_332 = arith.constant 0 : i32
    %dma_wait3A_333 = tpu.memref_slice %arg8[%dma_wait3A_331, %dma_wait3A_332] : memref<128x128xf32, #tpu.memory_space<vmem>> -> memref<8x128xf32, #tpu.memory_space<vmem>>
    %dma_wait3A_334 = tpu.memref_slice %arg2[%multiple_of3A_97, %multiple_of3A_100] : memref<16384x2048xf32, #tpu.memory_space<hbm>> -> memref<8x128xf32, #tpu.memory_space<hbm>>
    %dma_wait3A_335 = arith.constant 48 : i32
    %dma_wait3A_336 = arith.constant 0 : i32
    %dma_wait3A_337 = tpu.memref_slice %arg8[%dma_wait3A_335, %dma_wait3A_336] : memref<128x128xf32, #tpu.memory_space<vmem>> -> memref<8x128xf32, #tpu.memory_space<vmem>>
    %dma_wait3A_338 = tpu.memref_slice %arg2[%multiple_of3A_97, %multiple_of3A_100] : memref<16384x2048xf32, #tpu.memory_space<hbm>> -> memref<8x128xf32, #tpu.memory_space<hbm>>
    tpu.wait_dma2 semaphore(%arg11 : memref<!tpu.dma_semaphore, #tpu.memory_space<semaphore_mem>>) src(%dma_wait3A_338 : memref<8x128xf32, #tpu.memory_space<hbm>>) dst(%dma_wait3A_337 : memref<8x128xf32, #tpu.memory_space<vmem>>)
    %dma_wait3A_339 = arith.constant 56 : i32
    %dma_wait3A_340 = arith.constant 0 : i32
    %dma_wait3A_341 = tpu.memref_slice %arg8[%dma_wait3A_339, %dma_wait3A_340] : memref<128x128xf32, #tpu.memory_space<vmem>> -> memref<8x128xf32, #tpu.memory_space<vmem>>
    %dma_wait3A_342 = tpu.memref_slice %arg2[%multiple_of3A_103, %multiple_of3A_106] : memref<16384x2048xf32, #tpu.memory_space<hbm>> -> memref<8x128xf32, #tpu.memory_space<hbm>>
    %dma_wait3A_343 = arith.constant 56 : i32
    %dma_wait3A_344 = arith.constant 0 : i32
    %dma_wait3A_345 = tpu.memref_slice %arg8[%dma_wait3A_343, %dma_wait3A_344] : memref<128x128xf32, #tpu.memory_space<vmem>> -> memref<8x128xf32, #tpu.memory_space<vmem>>
    %dma_wait3A_346 = tpu.memref_slice %arg2[%multiple_of3A_103, %multiple_of3A_106] : memref<16384x2048xf32, #tpu.memory_space<hbm>> -> memref<8x128xf32, #tpu.memory_space<hbm>>
    tpu.wait_dma2 semaphore(%arg11 : memref<!tpu.dma_semaphore, #tpu.memory_space<semaphore_mem>>) src(%dma_wait3A_346 : memref<8x128xf32, #tpu.memory_space<hbm>>) dst(%dma_wait3A_345 : memref<8x128xf32, #tpu.memory_space<vmem>>)
    %dma_wait3A_347 = arith.constant 64 : i32
    %dma_wait3A_348 = arith.constant 0 : i32
    %dma_wait3A_349 = tpu.memref_slice %arg8[%dma_wait3A_347, %dma_wait3A_348] : memref<128x128xf32, #tpu.memory_space<vmem>> -> memref<8x128xf32, #tpu.memory_space<vmem>>
    %dma_wait3A_350 = tpu.memref_slice %arg2[%multiple_of3A_109, %multiple_of3A_112] : memref<16384x2048xf32, #tpu.memory_space<hbm>> -> memref<8x128xf32, #tpu.memory_space<hbm>>
    %dma_wait3A_351 = arith.constant 64 : i32
    %dma_wait3A_352 = arith.constant 0 : i32
    %dma_wait3A_353 = tpu.memref_slice %arg8[%dma_wait3A_351, %dma_wait3A_352] : memref<128x128xf32, #tpu.memory_space<vmem>> -> memref<8x128xf32, #tpu.memory_space<vmem>>
    %dma_wait3A_354 = tpu.memref_slice %arg2[%multiple_of3A_109, %multiple_of3A_112] : memref<16384x2048xf32, #tpu.memory_space<hbm>> -> memref<8x128xf32, #tpu.memory_space<hbm>>
    tpu.wait_dma2 semaphore(%arg11 : memref<!tpu.dma_semaphore, #tpu.memory_space<semaphore_mem>>) src(%dma_wait3A_354 : memref<8x128xf32, #tpu.memory_space<hbm>>) dst(%dma_wait3A_353 : memref<8x128xf32, #tpu.memory_space<vmem>>)
    %dma_wait3A_355 = arith.constant 72 : i32
    %dma_wait3A_356 = arith.constant 0 : i32
    %dma_wait3A_357 = tpu.memref_slice %arg8[%dma_wait3A_355, %dma_wait3A_356] : memref<128x128xf32, #tpu.memory_space<vmem>> -> memref<8x128xf32, #tpu.memory_space<vmem>>
    %dma_wait3A_358 = tpu.memref_slice %arg2[%multiple_of3A_115, %multiple_of3A_118] : memref<16384x2048xf32, #tpu.memory_space<hbm>> -> memref<8x128xf32, #tpu.memory_space<hbm>>
    %dma_wait3A_359 = arith.constant 72 : i32
    %dma_wait3A_360 = arith.constant 0 : i32
    %dma_wait3A_361 = tpu.memref_slice %arg8[%dma_wait3A_359, %dma_wait3A_360] : memref<128x128xf32, #tpu.memory_space<vmem>> -> memref<8x128xf32, #tpu.memory_space<vmem>>
    %dma_wait3A_362 = tpu.memref_slice %arg2[%multiple_of3A_115, %multiple_of3A_118] : memref<16384x2048xf32, #tpu.memory_space<hbm>> -> memref<8x128xf32, #tpu.memory_space<hbm>>
    tpu.wait_dma2 semaphore(%arg11 : memref<!tpu.dma_semaphore, #tpu.memory_space<semaphore_mem>>) src(%dma_wait3A_362 : memref<8x128xf32, #tpu.memory_space<hbm>>) dst(%dma_wait3A_361 : memref<8x128xf32, #tpu.memory_space<vmem>>)
    %dma_wait3A_363 = arith.constant 80 : i32
    %dma_wait3A_364 = arith.constant 0 : i32
    %dma_wait3A_365 = tpu.memref_slice %arg8[%dma_wait3A_363, %dma_wait3A_364] : memref<128x128xf32, #tpu.memory_space<vmem>> -> memref<8x128xf32, #tpu.memory_space<vmem>>
    %dma_wait3A_366 = tpu.memref_slice %arg2[%multiple_of3A_121, %multiple_of3A_124] : memref<16384x2048xf32, #tpu.memory_space<hbm>> -> memref<8x128xf32, #tpu.memory_space<hbm>>
    %dma_wait3A_367 = arith.constant 80 : i32
    %dma_wait3A_368 = arith.constant 0 : i32
    %dma_wait3A_369 = tpu.memref_slice %arg8[%dma_wait3A_367, %dma_wait3A_368] : memref<128x128xf32, #tpu.memory_space<vmem>> -> memref<8x128xf32, #tpu.memory_space<vmem>>
    %dma_wait3A_370 = tpu.memref_slice %arg2[%multiple_of3A_121, %multiple_of3A_124] : memref<16384x2048xf32, #tpu.memory_space<hbm>> -> memref<8x128xf32, #tpu.memory_space<hbm>>
    tpu.wait_dma2 semaphore(%arg11 : memref<!tpu.dma_semaphore, #tpu.memory_space<semaphore_mem>>) src(%dma_wait3A_370 : memref<8x128xf32, #tpu.memory_space<hbm>>) dst(%dma_wait3A_369 : memref<8x128xf32, #tpu.memory_space<vmem>>)
    %dma_wait3A_371 = arith.constant 88 : i32
    %dma_wait3A_372 = arith.constant 0 : i32
    %dma_wait3A_373 = tpu.memref_slice %arg8[%dma_wait3A_371, %dma_wait3A_372] : memref<128x128xf32, #tpu.memory_space<vmem>> -> memref<8x128xf32, #tpu.memory_space<vmem>>
    %dma_wait3A_374 = tpu.memref_slice %arg2[%multiple_of3A_127, %multiple_of3A_130] : memref<16384x2048xf32, #tpu.memory_space<hbm>> -> memref<8x128xf32, #tpu.memory_space<hbm>>
    %dma_wait3A_375 = arith.constant 88 : i32
    %dma_wait3A_376 = arith.constant 0 : i32
    %dma_wait3A_377 = tpu.memref_slice %arg8[%dma_wait3A_375, %dma_wait3A_376] : memref<128x128xf32, #tpu.memory_space<vmem>> -> memref<8x128xf32, #tpu.memory_space<vmem>>
    %dma_wait3A_378 = tpu.memref_slice %arg2[%multiple_of3A_127, %multiple_of3A_130] : memref<16384x2048xf32, #tpu.memory_space<hbm>> -> memref<8x128xf32, #tpu.memory_space<hbm>>
    tpu.wait_dma2 semaphore(%arg11 : memref<!tpu.dma_semaphore, #tpu.memory_space<semaphore_mem>>) src(%dma_wait3A_378 : memref<8x128xf32, #tpu.memory_space<hbm>>) dst(%dma_wait3A_377 : memref<8x128xf32, #tpu.memory_space<vmem>>)
    %dma_wait3A_379 = arith.constant 96 : i32
    %dma_wait3A_380 = arith.constant 0 : i32
    %dma_wait3A_381 = tpu.memref_slice %arg8[%dma_wait3A_379, %dma_wait3A_380] : memref<128x128xf32, #tpu.memory_space<vmem>> -> memref<8x128xf32, #tpu.memory_space<vmem>>
    %dma_wait3A_382 = tpu.memref_slice %arg2[%multiple_of3A_133, %multiple_of3A_136] : memref<16384x2048xf32, #tpu.memory_space<hbm>> -> memref<8x128xf32, #tpu.memory_space<hbm>>
    %dma_wait3A_383 = arith.constant 96 : i32
    %dma_wait3A_384 = arith.constant 0 : i32
    %dma_wait3A_385 = tpu.memref_slice %arg8[%dma_wait3A_383, %dma_wait3A_384] : memref<128x128xf32, #tpu.memory_space<vmem>> -> memref<8x128xf32, #tpu.memory_space<vmem>>
    %dma_wait3A_386 = tpu.memref_slice %arg2[%multiple_of3A_133, %multiple_of3A_136] : memref<16384x2048xf32, #tpu.memory_space<hbm>> -> memref<8x128xf32, #tpu.memory_space<hbm>>
    tpu.wait_dma2 semaphore(%arg11 : memref<!tpu.dma_semaphore, #tpu.memory_space<semaphore_mem>>) src(%dma_wait3A_386 : memref<8x128xf32, #tpu.memory_space<hbm>>) dst(%dma_wait3A_385 : memref<8x128xf32, #tpu.memory_space<vmem>>)
    %dma_wait3A_387 = arith.constant 104 : i32
    %dma_wait3A_388 = arith.constant 0 : i32
    %dma_wait3A_389 = tpu.memref_slice %arg8[%dma_wait3A_387, %dma_wait3A_388] : memref<128x128xf32, #tpu.memory_space<vmem>> -> memref<8x128xf32, #tpu.memory_space<vmem>>
    %dma_wait3A_390 = tpu.memref_slice %arg2[%multiple_of3A_139, %multiple_of3A_142] : memref<16384x2048xf32, #tpu.memory_space<hbm>> -> memref<8x128xf32, #tpu.memory_space<hbm>>
    %dma_wait3A_391 = arith.constant 104 : i32
    %dma_wait3A_392 = arith.constant 0 : i32
    %dma_wait3A_393 = tpu.memref_slice %arg8[%dma_wait3A_391, %dma_wait3A_392] : memref<128x128xf32, #tpu.memory_space<vmem>> -> memref<8x128xf32, #tpu.memory_space<vmem>>
    %dma_wait3A_394 = tpu.memref_slice %arg2[%multiple_of3A_139, %multiple_of3A_142] : memref<16384x2048xf32, #tpu.memory_space<hbm>> -> memref<8x128xf32, #tpu.memory_space<hbm>>
    tpu.wait_dma2 semaphore(%arg11 : memref<!tpu.dma_semaphore, #tpu.memory_space<semaphore_mem>>) src(%dma_wait3A_394 : memref<8x128xf32, #tpu.memory_space<hbm>>) dst(%dma_wait3A_393 : memref<8x128xf32, #tpu.memory_space<vmem>>)
    %dma_wait3A_395 = arith.constant 112 : i32
    %dma_wait3A_396 = arith.constant 0 : i32
    %dma_wait3A_397 = tpu.memref_slice %arg8[%dma_wait3A_395, %dma_wait3A_396] : memref<128x128xf32, #tpu.memory_space<vmem>> -> memref<8x128xf32, #tpu.memory_space<vmem>>
    %dma_wait3A_398 = tpu.memref_slice %arg2[%multiple_of3A_145, %multiple_of3A_148] : memref<16384x2048xf32, #tpu.memory_space<hbm>> -> memref<8x128xf32, #tpu.memory_space<hbm>>
    %dma_wait3A_399 = arith.constant 112 : i32
    %dma_wait3A_400 = arith.constant 0 : i32
    %dma_wait3A_401 = tpu.memref_slice %arg8[%dma_wait3A_399, %dma_wait3A_400] : memref<128x128xf32, #tpu.memory_space<vmem>> -> memref<8x128xf32, #tpu.memory_space<vmem>>
    %dma_wait3A_402 = tpu.memref_slice %arg2[%multiple_of3A_145, %multiple_of3A_148] : memref<16384x2048xf32, #tpu.memory_space<hbm>> -> memref<8x128xf32, #tpu.memory_space<hbm>>
    tpu.wait_dma2 semaphore(%arg11 : memref<!tpu.dma_semaphore, #tpu.memory_space<semaphore_mem>>) src(%dma_wait3A_402 : memref<8x128xf32, #tpu.memory_space<hbm>>) dst(%dma_wait3A_401 : memref<8x128xf32, #tpu.memory_space<vmem>>)
    %dma_wait3A_403 = arith.constant 120 : i32
    %dma_wait3A_404 = arith.constant 0 : i32
    %dma_wait3A_405 = tpu.memref_slice %arg8[%dma_wait3A_403, %dma_wait3A_404] : memref<128x128xf32, #tpu.memory_space<vmem>> -> memref<8x128xf32, #tpu.memory_space<vmem>>
    %dma_wait3A_406 = tpu.memref_slice %arg2[%multiple_of3A_151, %multiple_of3A_154] : memref<16384x2048xf32, #tpu.memory_space<hbm>> -> memref<8x128xf32, #tpu.memory_space<hbm>>
    %dma_wait3A_407 = arith.constant 120 : i32
    %dma_wait3A_408 = arith.constant 0 : i32
    %dma_wait3A_409 = tpu.memref_slice %arg8[%dma_wait3A_407, %dma_wait3A_408] : memref<128x128xf32, #tpu.memory_space<vmem>> -> memref<8x128xf32, #tpu.memory_space<vmem>>
    %dma_wait3A_410 = tpu.memref_slice %arg2[%multiple_of3A_151, %multiple_of3A_154] : memref<16384x2048xf32, #tpu.memory_space<hbm>> -> memref<8x128xf32, #tpu.memory_space<hbm>>
    tpu.wait_dma2 semaphore(%arg11 : memref<!tpu.dma_semaphore, #tpu.memory_space<semaphore_mem>>) src(%dma_wait3A_410 : memref<8x128xf32, #tpu.memory_space<hbm>>) dst(%dma_wait3A_409 : memref<8x128xf32, #tpu.memory_space<vmem>>)
    %mul3A_411 = arith.constant 2048 : i32
    %mul3A_412 = arith.muli %arg1, %mul3A_411 : i32
    %slice3A_413 = vector.extract_strided_slice %and3A_61 {offsets = [0], sizes = [1], strides = [1]} : vector<16xi32> to vector<1xi32>
    %squeeze3A_414 = vector.extract %slice3A_413[0] : i32 from vector<1xi32>
    %add3A_415 = arith.constant 0 : i32
    %add3A_416 = arith.addi %add3A_415, %squeeze3A_414 : i32
    %add3A_417 = arith.constant 0 : i32
    %add3A_418 = arith.addi %mul3A_412, %add3A_417 : i32
    %slice3A_419 = vector.extract_strided_slice %and3A_61 {offsets = [1], sizes = [1], strides = [1]} : vector<16xi32> to vector<1xi32>
    %squeeze3A_420 = vector.extract %slice3A_419[0] : i32 from vector<1xi32>
    %add3A_421 = arith.constant 8 : i32
    %add3A_422 = arith.addi %add3A_421, %squeeze3A_420 : i32
    %add3A_423 = arith.constant 128 : i32
    %add3A_424 = arith.addi %mul3A_412, %add3A_423 : i32
    %slice3A_425 = vector.extract_strided_slice %and3A_61 {offsets = [2], sizes = [1], strides = [1]} : vector<16xi32> to vector<1xi32>
    %squeeze3A_426 = vector.extract %slice3A_425[0] : i32 from vector<1xi32>
    %add3A_427 = arith.constant 16 : i32
    %add3A_428 = arith.addi %add3A_427, %squeeze3A_426 : i32
    %add3A_429 = arith.constant 256 : i32
    %add3A_430 = arith.addi %mul3A_412, %add3A_429 : i32
    %slice3A_431 = vector.extract_strided_slice %and3A_61 {offsets = [3], sizes = [1], strides = [1]} : vector<16xi32> to vector<1xi32>
    %squeeze3A_432 = vector.extract %slice3A_431[0] : i32 from vector<1xi32>
    %add3A_433 = arith.constant 24 : i32
    %add3A_434 = arith.addi %add3A_433, %squeeze3A_432 : i32
    %add3A_435 = arith.constant 384 : i32
    %add3A_436 = arith.addi %mul3A_412, %add3A_435 : i32
    %slice3A_437 = vector.extract_strided_slice %and3A_61 {offsets = [4], sizes = [1], strides = [1]} : vector<16xi32> to vector<1xi32>
    %squeeze3A_438 = vector.extract %slice3A_437[0] : i32 from vector<1xi32>
    %add3A_439 = arith.constant 32 : i32
    %add3A_440 = arith.addi %add3A_439, %squeeze3A_438 : i32
    %add3A_441 = arith.constant 512 : i32
    %add3A_442 = arith.addi %mul3A_412, %add3A_441 : i32
    %slice3A_443 = vector.extract_strided_slice %and3A_61 {offsets = [5], sizes = [1], strides = [1]} : vector<16xi32> to vector<1xi32>
    %squeeze3A_444 = vector.extract %slice3A_443[0] : i32 from vector<1xi32>
    %add3A_445 = arith.constant 40 : i32
    %add3A_446 = arith.addi %add3A_445, %squeeze3A_444 : i32
    %add3A_447 = arith.constant 640 : i32
    %add3A_448 = arith.addi %mul3A_412, %add3A_447 : i32
    %slice3A_449 = vector.extract_strided_slice %and3A_61 {offsets = [6], sizes = [1], strides = [1]} : vector<16xi32> to vector<1xi32>
    %squeeze3A_450 = vector.extract %slice3A_449[0] : i32 from vector<1xi32>
    %add3A_451 = arith.constant 48 : i32
    %add3A_452 = arith.addi %add3A_451, %squeeze3A_450 : i32
    %add3A_453 = arith.constant 768 : i32
    %add3A_454 = arith.addi %mul3A_412, %add3A_453 : i32
    %slice3A_455 = vector.extract_strided_slice %and3A_61 {offsets = [7], sizes = [1], strides = [1]} : vector<16xi32> to vector<1xi32>
    %squeeze3A_456 = vector.extract %slice3A_455[0] : i32 from vector<1xi32>
    %add3A_457 = arith.constant 56 : i32
    %add3A_458 = arith.addi %add3A_457, %squeeze3A_456 : i32
    %add3A_459 = arith.constant 896 : i32
    %add3A_460 = arith.addi %mul3A_412, %add3A_459 : i32
    %slice3A_461 = vector.extract_strided_slice %and3A_61 {offsets = [8], sizes = [1], strides = [1]} : vector<16xi32> to vector<1xi32>
    %squeeze3A_462 = vector.extract %slice3A_461[0] : i32 from vector<1xi32>
    %add3A_463 = arith.constant 64 : i32
    %add3A_464 = arith.addi %add3A_463, %squeeze3A_462 : i32
    %add3A_465 = arith.constant 1024 : i32
    %add3A_466 = arith.addi %mul3A_412, %add3A_465 : i32
    %slice3A_467 = vector.extract_strided_slice %and3A_61 {offsets = [9], sizes = [1], strides = [1]} : vector<16xi32> to vector<1xi32>
    %squeeze3A_468 = vector.extract %slice3A_467[0] : i32 from vector<1xi32>
    %add3A_469 = arith.constant 72 : i32
    %add3A_470 = arith.addi %add3A_469, %squeeze3A_468 : i32
    %add3A_471 = arith.constant 1152 : i32
    %add3A_472 = arith.addi %mul3A_412, %add3A_471 : i32
    %slice3A_473 = vector.extract_strided_slice %and3A_61 {offsets = [10], sizes = [1], strides = [1]} : vector<16xi32> to vector<1xi32>
    %squeeze3A_474 = vector.extract %slice3A_473[0] : i32 from vector<1xi32>
    %add3A_475 = arith.constant 80 : i32
    %add3A_476 = arith.addi %add3A_475, %squeeze3A_474 : i32
    %add3A_477 = arith.constant 1280 : i32
    %add3A_478 = arith.addi %mul3A_412, %add3A_477 : i32
    %slice3A_479 = vector.extract_strided_slice %and3A_61 {offsets = [11], sizes = [1], strides = [1]} : vector<16xi32> to vector<1xi32>
    %squeeze3A_480 = vector.extract %slice3A_479[0] : i32 from vector<1xi32>
    %add3A_481 = arith.constant 88 : i32
    %add3A_482 = arith.addi %add3A_481, %squeeze3A_480 : i32
    %add3A_483 = arith.constant 1408 : i32
    %add3A_484 = arith.addi %mul3A_412, %add3A_483 : i32
    %slice3A_485 = vector.extract_strided_slice %and3A_61 {offsets = [12], sizes = [1], strides = [1]} : vector<16xi32> to vector<1xi32>
    %squeeze3A_486 = vector.extract %slice3A_485[0] : i32 from vector<1xi32>
    %add3A_487 = arith.constant 96 : i32
    %add3A_488 = arith.addi %add3A_487, %squeeze3A_486 : i32
    %add3A_489 = arith.constant 1536 : i32
    %add3A_490 = arith.addi %mul3A_412, %add3A_489 : i32
    %slice3A_491 = vector.extract_strided_slice %and3A_61 {offsets = [13], sizes = [1], strides = [1]} : vector<16xi32> to vector<1xi32>
    %squeeze3A_492 = vector.extract %slice3A_491[0] : i32 from vector<1xi32>
    %add3A_493 = arith.constant 104 : i32
    %add3A_494 = arith.addi %add3A_493, %squeeze3A_492 : i32
    %add3A_495 = arith.constant 1664 : i32
    %add3A_496 = arith.addi %mul3A_412, %add3A_495 : i32
    %slice3A_497 = vector.extract_strided_slice %and3A_61 {offsets = [14], sizes = [1], strides = [1]} : vector<16xi32> to vector<1xi32>
    %squeeze3A_498 = vector.extract %slice3A_497[0] : i32 from vector<1xi32>
    %add3A_499 = arith.constant 112 : i32
    %add3A_500 = arith.addi %add3A_499, %squeeze3A_498 : i32
    %add3A_501 = arith.constant 1792 : i32
    %add3A_502 = arith.addi %mul3A_412, %add3A_501 : i32
    %slice3A_503 = vector.extract_strided_slice %and3A_61 {offsets = [15], sizes = [1], strides = [1]} : vector<16xi32> to vector<1xi32>
    %squeeze3A_504 = vector.extract %slice3A_503[0] : i32 from vector<1xi32>
    %add3A_505 = arith.constant 120 : i32
    %add3A_506 = arith.addi %add3A_505, %squeeze3A_504 : i32
    %add3A_507 = arith.constant 1920 : i32
    %add3A_508 = arith.addi %mul3A_412, %add3A_507 : i32
    %dma_start3A_509 = arith.constant 0 : i32
    %dma_start3A_510 = tpu.memref_slice %arg8[%add3A_416, %dma_start3A_509] : memref<128x128xf32, #tpu.memory_space<vmem>> -> memref<1x128xf32, #tpu.memory_space<vmem>>
    %dma_start3A_511 = tpu.memref_squeeze %dma_start3A_510 : memref<1x128xf32, #tpu.memory_space<vmem>> -> memref<128xf32, #tpu.memory_space<vmem>>
    %dma_start3A_512 = tpu.memref_slice %arg10[%add3A_418] : memref<32768xf32, #tpu.memory_space<vmem_shared>> -> memref<128xf32, #tpu.memory_space<vmem_shared>>
    %dma_start3A_513 = tpu.memref_slice %arg10[%add3A_418] : memref<32768xf32, #tpu.memory_space<vmem_shared>> -> memref<128xf32, #tpu.memory_space<vmem_shared>>
    %dma_start3A_514 = arith.constant 0 : i32
    %dma_start3A_515 = tpu.memref_slice %arg8[%add3A_416, %dma_start3A_514] : memref<128x128xf32, #tpu.memory_space<vmem>> -> memref<1x128xf32, #tpu.memory_space<vmem>>
    %dma_start3A_516 = tpu.memref_squeeze %dma_start3A_515 : memref<1x128xf32, #tpu.memory_space<vmem>> -> memref<128xf32, #tpu.memory_space<vmem>>
    tpu.enqueue_dma source(%dma_start3A_516 : memref<128xf32, #tpu.memory_space<vmem>>) target(%dma_start3A_513 : memref<128xf32, #tpu.memory_space<vmem_shared>>) target_semaphore(%arg12 : memref<!tpu.dma_semaphore, #tpu.memory_space<semaphore_mem>>)
    %dma_start3A_517 = arith.constant 0 : i32
    %dma_start3A_518 = tpu.memref_slice %arg8[%add3A_422, %dma_start3A_517] : memref<128x128xf32, #tpu.memory_space<vmem>> -> memref<1x128xf32, #tpu.memory_space<vmem>>
    %dma_start3A_519 = tpu.memref_squeeze %dma_start3A_518 : memref<1x128xf32, #tpu.memory_space<vmem>> -> memref<128xf32, #tpu.memory_space<vmem>>
    %dma_start3A_520 = tpu.memref_slice %arg10[%add3A_424] : memref<32768xf32, #tpu.memory_space<vmem_shared>> -> memref<128xf32, #tpu.memory_space<vmem_shared>>
    %dma_start3A_521 = tpu.memref_slice %arg10[%add3A_424] : memref<32768xf32, #tpu.memory_space<vmem_shared>> -> memref<128xf32, #tpu.memory_space<vmem_shared>>
    %dma_start3A_522 = arith.constant 0 : i32
    %dma_start3A_523 = tpu.memref_slice %arg8[%add3A_422, %dma_start3A_522] : memref<128x128xf32, #tpu.memory_space<vmem>> -> memref<1x128xf32, #tpu.memory_space<vmem>>
    %dma_start3A_524 = tpu.memref_squeeze %dma_start3A_523 : memref<1x128xf32, #tpu.memory_space<vmem>> -> memref<128xf32, #tpu.memory_space<vmem>>
    tpu.enqueue_dma source(%dma_start3A_524 : memref<128xf32, #tpu.memory_space<vmem>>) target(%dma_start3A_521 : memref<128xf32, #tpu.memory_space<vmem_shared>>) target_semaphore(%arg12 : memref<!tpu.dma_semaphore, #tpu.memory_space<semaphore_mem>>)
    %dma_start3A_525 = arith.constant 0 : i32
    %dma_start3A_526 = tpu.memref_slice %arg8[%add3A_428, %dma_start3A_525] : memref<128x128xf32, #tpu.memory_space<vmem>> -> memref<1x128xf32, #tpu.memory_space<vmem>>
    %dma_start3A_527 = tpu.memref_squeeze %dma_start3A_526 : memref<1x128xf32, #tpu.memory_space<vmem>> -> memref<128xf32, #tpu.memory_space<vmem>>
    %dma_start3A_528 = tpu.memref_slice %arg10[%add3A_430] : memref<32768xf32, #tpu.memory_space<vmem_shared>> -> memref<128xf32, #tpu.memory_space<vmem_shared>>
    %dma_start3A_529 = tpu.memref_slice %arg10[%add3A_430] : memref<32768xf32, #tpu.memory_space<vmem_shared>> -> memref<128xf32, #tpu.memory_space<vmem_shared>>
    %dma_start3A_530 = arith.constant 0 : i32
    %dma_start3A_531 = tpu.memref_slice %arg8[%add3A_428, %dma_start3A_530] : memref<128x128xf32, #tpu.memory_space<vmem>> -> memref<1x128xf32, #tpu.memory_space<vmem>>
    %dma_start3A_532 = tpu.memref_squeeze %dma_start3A_531 : memref<1x128xf32, #tpu.memory_space<vmem>> -> memref<128xf32, #tpu.memory_space<vmem>>
    tpu.enqueue_dma source(%dma_start3A_532 : memref<128xf32, #tpu.memory_space<vmem>>) target(%dma_start3A_529 : memref<128xf32, #tpu.memory_space<vmem_shared>>) target_semaphore(%arg12 : memref<!tpu.dma_semaphore, #tpu.memory_space<semaphore_mem>>)
    %dma_start3A_533 = arith.constant 0 : i32
    %dma_start3A_534 = tpu.memref_slice %arg8[%add3A_434, %dma_start3A_533] : memref<128x128xf32, #tpu.memory_space<vmem>> -> memref<1x128xf32, #tpu.memory_space<vmem>>
    %dma_start3A_535 = tpu.memref_squeeze %dma_start3A_534 : memref<1x128xf32, #tpu.memory_space<vmem>> -> memref<128xf32, #tpu.memory_space<vmem>>
    %dma_start3A_536 = tpu.memref_slice %arg10[%add3A_436] : memref<32768xf32, #tpu.memory_space<vmem_shared>> -> memref<128xf32, #tpu.memory_space<vmem_shared>>
    %dma_start3A_537 = tpu.memref_slice %arg10[%add3A_436] : memref<32768xf32, #tpu.memory_space<vmem_shared>> -> memref<128xf32, #tpu.memory_space<vmem_shared>>
    %dma_start3A_538 = arith.constant 0 : i32
    %dma_start3A_539 = tpu.memref_slice %arg8[%add3A_434, %dma_start3A_538] : memref<128x128xf32, #tpu.memory_space<vmem>> -> memref<1x128xf32, #tpu.memory_space<vmem>>
    %dma_start3A_540 = tpu.memref_squeeze %dma_start3A_539 : memref<1x128xf32, #tpu.memory_space<vmem>> -> memref<128xf32, #tpu.memory_space<vmem>>
    tpu.enqueue_dma source(%dma_start3A_540 : memref<128xf32, #tpu.memory_space<vmem>>) target(%dma_start3A_537 : memref<128xf32, #tpu.memory_space<vmem_shared>>) target_semaphore(%arg12 : memref<!tpu.dma_semaphore, #tpu.memory_space<semaphore_mem>>)
    %dma_start3A_541 = arith.constant 0 : i32
    %dma_start3A_542 = tpu.memref_slice %arg8[%add3A_440, %dma_start3A_541] : memref<128x128xf32, #tpu.memory_space<vmem>> -> memref<1x128xf32, #tpu.memory_space<vmem>>
    %dma_start3A_543 = tpu.memref_squeeze %dma_start3A_542 : memref<1x128xf32, #tpu.memory_space<vmem>> -> memref<128xf32, #tpu.memory_space<vmem>>
    %dma_start3A_544 = tpu.memref_slice %arg10[%add3A_442] : memref<32768xf32, #tpu.memory_space<vmem_shared>> -> memref<128xf32, #tpu.memory_space<vmem_shared>>
    %dma_start3A_545 = tpu.memref_slice %arg10[%add3A_442] : memref<32768xf32, #tpu.memory_space<vmem_shared>> -> memref<128xf32, #tpu.memory_space<vmem_shared>>
    %dma_start3A_546 = arith.constant 0 : i32
    %dma_start3A_547 = tpu.memref_slice %arg8[%add3A_440, %dma_start3A_546] : memref<128x128xf32, #tpu.memory_space<vmem>> -> memref<1x128xf32, #tpu.memory_space<vmem>>
    %dma_start3A_548 = tpu.memref_squeeze %dma_start3A_547 : memref<1x128xf32, #tpu.memory_space<vmem>> -> memref<128xf32, #tpu.memory_space<vmem>>
    tpu.enqueue_dma source(%dma_start3A_548 : memref<128xf32, #tpu.memory_space<vmem>>) target(%dma_start3A_545 : memref<128xf32, #tpu.memory_space<vmem_shared>>) target_semaphore(%arg12 : memref<!tpu.dma_semaphore, #tpu.memory_space<semaphore_mem>>)
    %dma_start3A_549 = arith.constant 0 : i32
    %dma_start3A_550 = tpu.memref_slice %arg8[%add3A_446, %dma_start3A_549] : memref<128x128xf32, #tpu.memory_space<vmem>> -> memref<1x128xf32, #tpu.memory_space<vmem>>
    %dma_start3A_551 = tpu.memref_squeeze %dma_start3A_550 : memref<1x128xf32, #tpu.memory_space<vmem>> -> memref<128xf32, #tpu.memory_space<vmem>>
    %dma_start3A_552 = tpu.memref_slice %arg10[%add3A_448] : memref<32768xf32, #tpu.memory_space<vmem_shared>> -> memref<128xf32, #tpu.memory_space<vmem_shared>>
    %dma_start3A_553 = tpu.memref_slice %arg10[%add3A_448] : memref<32768xf32, #tpu.memory_space<vmem_shared>> -> memref<128xf32, #tpu.memory_space<vmem_shared>>
    %dma_start3A_554 = arith.constant 0 : i32
    %dma_start3A_555 = tpu.memref_slice %arg8[%add3A_446, %dma_start3A_554] : memref<128x128xf32, #tpu.memory_space<vmem>> -> memref<1x128xf32, #tpu.memory_space<vmem>>
    %dma_start3A_556 = tpu.memref_squeeze %dma_start3A_555 : memref<1x128xf32, #tpu.memory_space<vmem>> -> memref<128xf32, #tpu.memory_space<vmem>>
    tpu.enqueue_dma source(%dma_start3A_556 : memref<128xf32, #tpu.memory_space<vmem>>) target(%dma_start3A_553 : memref<128xf32, #tpu.memory_space<vmem_shared>>) target_semaphore(%arg12 : memref<!tpu.dma_semaphore, #tpu.memory_space<semaphore_mem>>)
    %dma_start3A_557 = arith.constant 0 : i32
    %dma_start3A_558 = tpu.memref_slice %arg8[%add3A_452, %dma_start3A_557] : memref<128x128xf32, #tpu.memory_space<vmem>> -> memref<1x128xf32, #tpu.memory_space<vmem>>
    %dma_start3A_559 = tpu.memref_squeeze %dma_start3A_558 : memref<1x128xf32, #tpu.memory_space<vmem>> -> memref<128xf32, #tpu.memory_space<vmem>>
    %dma_start3A_560 = tpu.memref_slice %arg10[%add3A_454] : memref<32768xf32, #tpu.memory_space<vmem_shared>> -> memref<128xf32, #tpu.memory_space<vmem_shared>>
    %dma_start3A_561 = tpu.memref_slice %arg10[%add3A_454] : memref<32768xf32, #tpu.memory_space<vmem_shared>> -> memref<128xf32, #tpu.memory_space<vmem_shared>>
    %dma_start3A_562 = arith.constant 0 : i32
    %dma_start3A_563 = tpu.memref_slice %arg8[%add3A_452, %dma_start3A_562] : memref<128x128xf32, #tpu.memory_space<vmem>> -> memref<1x128xf32, #tpu.memory_space<vmem>>
    %dma_start3A_564 = tpu.memref_squeeze %dma_start3A_563 : memref<1x128xf32, #tpu.memory_space<vmem>> -> memref<128xf32, #tpu.memory_space<vmem>>
    tpu.enqueue_dma source(%dma_start3A_564 : memref<128xf32, #tpu.memory_space<vmem>>) target(%dma_start3A_561 : memref<128xf32, #tpu.memory_space<vmem_shared>>) target_semaphore(%arg12 : memref<!tpu.dma_semaphore, #tpu.memory_space<semaphore_mem>>)
    %dma_start3A_565 = arith.constant 0 : i32
    %dma_start3A_566 = tpu.memref_slice %arg8[%add3A_458, %dma_start3A_565] : memref<128x128xf32, #tpu.memory_space<vmem>> -> memref<1x128xf32, #tpu.memory_space<vmem>>
    %dma_start3A_567 = tpu.memref_squeeze %dma_start3A_566 : memref<1x128xf32, #tpu.memory_space<vmem>> -> memref<128xf32, #tpu.memory_space<vmem>>
    %dma_start3A_568 = tpu.memref_slice %arg10[%add3A_460] : memref<32768xf32, #tpu.memory_space<vmem_shared>> -> memref<128xf32, #tpu.memory_space<vmem_shared>>
    %dma_start3A_569 = tpu.memref_slice %arg10[%add3A_460] : memref<32768xf32, #tpu.memory_space<vmem_shared>> -> memref<128xf32, #tpu.memory_space<vmem_shared>>
    %dma_start3A_570 = arith.constant 0 : i32
    %dma_start3A_571 = tpu.memref_slice %arg8[%add3A_458, %dma_start3A_570] : memref<128x128xf32, #tpu.memory_space<vmem>> -> memref<1x128xf32, #tpu.memory_space<vmem>>
    %dma_start3A_572 = tpu.memref_squeeze %dma_start3A_571 : memref<1x128xf32, #tpu.memory_space<vmem>> -> memref<128xf32, #tpu.memory_space<vmem>>
    tpu.enqueue_dma source(%dma_start3A_572 : memref<128xf32, #tpu.memory_space<vmem>>) target(%dma_start3A_569 : memref<128xf32, #tpu.memory_space<vmem_shared>>) target_semaphore(%arg12 : memref<!tpu.dma_semaphore, #tpu.memory_space<semaphore_mem>>)
    %dma_start3A_573 = arith.constant 0 : i32
    %dma_start3A_574 = tpu.memref_slice %arg8[%add3A_464, %dma_start3A_573] : memref<128x128xf32, #tpu.memory_space<vmem>> -> memref<1x128xf32, #tpu.memory_space<vmem>>
    %dma_start3A_575 = tpu.memref_squeeze %dma_start3A_574 : memref<1x128xf32, #tpu.memory_space<vmem>> -> memref<128xf32, #tpu.memory_space<vmem>>
    %dma_start3A_576 = tpu.memref_slice %arg10[%add3A_466] : memref<32768xf32, #tpu.memory_space<vmem_shared>> -> memref<128xf32, #tpu.memory_space<vmem_shared>>
    %dma_start3A_577 = tpu.memref_slice %arg10[%add3A_466] : memref<32768xf32, #tpu.memory_space<vmem_shared>> -> memref<128xf32, #tpu.memory_space<vmem_shared>>
    %dma_start3A_578 = arith.constant 0 : i32
    %dma_start3A_579 = tpu.memref_slice %arg8[%add3A_464, %dma_start3A_578] : memref<128x128xf32, #tpu.memory_space<vmem>> -> memref<1x128xf32, #tpu.memory_space<vmem>>
    %dma_start3A_580 = tpu.memref_squeeze %dma_start3A_579 : memref<1x128xf32, #tpu.memory_space<vmem>> -> memref<128xf32, #tpu.memory_space<vmem>>
    tpu.enqueue_dma source(%dma_start3A_580 : memref<128xf32, #tpu.memory_space<vmem>>) target(%dma_start3A_577 : memref<128xf32, #tpu.memory_space<vmem_shared>>) target_semaphore(%arg12 : memref<!tpu.dma_semaphore, #tpu.memory_space<semaphore_mem>>)
    %dma_start3A_581 = arith.constant 0 : i32
    %dma_start3A_582 = tpu.memref_slice %arg8[%add3A_470, %dma_start3A_581] : memref<128x128xf32, #tpu.memory_space<vmem>> -> memref<1x128xf32, #tpu.memory_space<vmem>>
    %dma_start3A_583 = tpu.memref_squeeze %dma_start3A_582 : memref<1x128xf32, #tpu.memory_space<vmem>> -> memref<128xf32, #tpu.memory_space<vmem>>
    %dma_start3A_584 = tpu.memref_slice %arg10[%add3A_472] : memref<32768xf32, #tpu.memory_space<vmem_shared>> -> memref<128xf32, #tpu.memory_space<vmem_shared>>
    %dma_start3A_585 = tpu.memref_slice %arg10[%add3A_472] : memref<32768xf32, #tpu.memory_space<vmem_shared>> -> memref<128xf32, #tpu.memory_space<vmem_shared>>
    %dma_start3A_586 = arith.constant 0 : i32
    %dma_start3A_587 = tpu.memref_slice %arg8[%add3A_470, %dma_start3A_586] : memref<128x128xf32, #tpu.memory_space<vmem>> -> memref<1x128xf32, #tpu.memory_space<vmem>>
    %dma_start3A_588 = tpu.memref_squeeze %dma_start3A_587 : memref<1x128xf32, #tpu.memory_space<vmem>> -> memref<128xf32, #tpu.memory_space<vmem>>
    tpu.enqueue_dma source(%dma_start3A_588 : memref<128xf32, #tpu.memory_space<vmem>>) target(%dma_start3A_585 : memref<128xf32, #tpu.memory_space<vmem_shared>>) target_semaphore(%arg12 : memref<!tpu.dma_semaphore, #tpu.memory_space<semaphore_mem>>)
    %dma_start3A_589 = arith.constant 0 : i32
    %dma_start3A_590 = tpu.memref_slice %arg8[%add3A_476, %dma_start3A_589] : memref<128x128xf32, #tpu.memory_space<vmem>> -> memref<1x128xf32, #tpu.memory_space<vmem>>
    %dma_start3A_591 = tpu.memref_squeeze %dma_start3A_590 : memref<1x128xf32, #tpu.memory_space<vmem>> -> memref<128xf32, #tpu.memory_space<vmem>>
    %dma_start3A_592 = tpu.memref_slice %arg10[%add3A_478] : memref<32768xf32, #tpu.memory_space<vmem_shared>> -> memref<128xf32, #tpu.memory_space<vmem_shared>>
    %dma_start3A_593 = tpu.memref_slice %arg10[%add3A_478] : memref<32768xf32, #tpu.memory_space<vmem_shared>> -> memref<128xf32, #tpu.memory_space<vmem_shared>>
    %dma_start3A_594 = arith.constant 0 : i32
    %dma_start3A_595 = tpu.memref_slice %arg8[%add3A_476, %dma_start3A_594] : memref<128x128xf32, #tpu.memory_space<vmem>> -> memref<1x128xf32, #tpu.memory_space<vmem>>
    %dma_start3A_596 = tpu.memref_squeeze %dma_start3A_595 : memref<1x128xf32, #tpu.memory_space<vmem>> -> memref<128xf32, #tpu.memory_space<vmem>>
    tpu.enqueue_dma source(%dma_start3A_596 : memref<128xf32, #tpu.memory_space<vmem>>) target(%dma_start3A_593 : memref<128xf32, #tpu.memory_space<vmem_shared>>) target_semaphore(%arg12 : memref<!tpu.dma_semaphore, #tpu.memory_space<semaphore_mem>>)
    %dma_start3A_597 = arith.constant 0 : i32
    %dma_start3A_598 = tpu.memref_slice %arg8[%add3A_482, %dma_start3A_597] : memref<128x128xf32, #tpu.memory_space<vmem>> -> memref<1x128xf32, #tpu.memory_space<vmem>>
    %dma_start3A_599 = tpu.memref_squeeze %dma_start3A_598 : memref<1x128xf32, #tpu.memory_space<vmem>> -> memref<128xf32, #tpu.memory_space<vmem>>
    %dma_start3A_600 = tpu.memref_slice %arg10[%add3A_484] : memref<32768xf32, #tpu.memory_space<vmem_shared>> -> memref<128xf32, #tpu.memory_space<vmem_shared>>
    %dma_start3A_601 = tpu.memref_slice %arg10[%add3A_484] : memref<32768xf32, #tpu.memory_space<vmem_shared>> -> memref<128xf32, #tpu.memory_space<vmem_shared>>
    %dma_start3A_602 = arith.constant 0 : i32
    %dma_start3A_603 = tpu.memref_slice %arg8[%add3A_482, %dma_start3A_602] : memref<128x128xf32, #tpu.memory_space<vmem>> -> memref<1x128xf32, #tpu.memory_space<vmem>>
    %dma_start3A_604 = tpu.memref_squeeze %dma_start3A_603 : memref<1x128xf32, #tpu.memory_space<vmem>> -> memref<128xf32, #tpu.memory_space<vmem>>
    tpu.enqueue_dma source(%dma_start3A_604 : memref<128xf32, #tpu.memory_space<vmem>>) target(%dma_start3A_601 : memref<128xf32, #tpu.memory_space<vmem_shared>>) target_semaphore(%arg12 : memref<!tpu.dma_semaphore, #tpu.memory_space<semaphore_mem>>)
    %dma_start3A_605 = arith.constant 0 : i32
    %dma_start3A_606 = tpu.memref_slice %arg8[%add3A_488, %dma_start3A_605] : memref<128x128xf32, #tpu.memory_space<vmem>> -> memref<1x128xf32, #tpu.memory_space<vmem>>
    %dma_start3A_607 = tpu.memref_squeeze %dma_start3A_606 : memref<1x128xf32, #tpu.memory_space<vmem>> -> memref<128xf32, #tpu.memory_space<vmem>>
    %dma_start3A_608 = tpu.memref_slice %arg10[%add3A_490] : memref<32768xf32, #tpu.memory_space<vmem_shared>> -> memref<128xf32, #tpu.memory_space<vmem_shared>>
    %dma_start3A_609 = tpu.memref_slice %arg10[%add3A_490] : memref<32768xf32, #tpu.memory_space<vmem_shared>> -> memref<128xf32, #tpu.memory_space<vmem_shared>>
    %dma_start3A_610 = arith.constant 0 : i32
    %dma_start3A_611 = tpu.memref_slice %arg8[%add3A_488, %dma_start3A_610] : memref<128x128xf32, #tpu.memory_space<vmem>> -> memref<1x128xf32, #tpu.memory_space<vmem>>
    %dma_start3A_612 = tpu.memref_squeeze %dma_start3A_611 : memref<1x128xf32, #tpu.memory_space<vmem>> -> memref<128xf32, #tpu.memory_space<vmem>>
    tpu.enqueue_dma source(%dma_start3A_612 : memref<128xf32, #tpu.memory_space<vmem>>) target(%dma_start3A_609 : memref<128xf32, #tpu.memory_space<vmem_shared>>) target_semaphore(%arg12 : memref<!tpu.dma_semaphore, #tpu.memory_space<semaphore_mem>>)
    %dma_start3A_613 = arith.constant 0 : i32
    %dma_start3A_614 = tpu.memref_slice %arg8[%add3A_494, %dma_start3A_613] : memref<128x128xf32, #tpu.memory_space<vmem>> -> memref<1x128xf32, #tpu.memory_space<vmem>>
    %dma_start3A_615 = tpu.memref_squeeze %dma_start3A_614 : memref<1x128xf32, #tpu.memory_space<vmem>> -> memref<128xf32, #tpu.memory_space<vmem>>
    %dma_start3A_616 = tpu.memref_slice %arg10[%add3A_496] : memref<32768xf32, #tpu.memory_space<vmem_shared>> -> memref<128xf32, #tpu.memory_space<vmem_shared>>
    %dma_start3A_617 = tpu.memref_slice %arg10[%add3A_496] : memref<32768xf32, #tpu.memory_space<vmem_shared>> -> memref<128xf32, #tpu.memory_space<vmem_shared>>
    %dma_start3A_618 = arith.constant 0 : i32
    %dma_start3A_619 = tpu.memref_slice %arg8[%add3A_494, %dma_start3A_618] : memref<128x128xf32, #tpu.memory_space<vmem>> -> memref<1x128xf32, #tpu.memory_space<vmem>>
    %dma_start3A_620 = tpu.memref_squeeze %dma_start3A_619 : memref<1x128xf32, #tpu.memory_space<vmem>> -> memref<128xf32, #tpu.memory_space<vmem>>
    tpu.enqueue_dma source(%dma_start3A_620 : memref<128xf32, #tpu.memory_space<vmem>>) target(%dma_start3A_617 : memref<128xf32, #tpu.memory_space<vmem_shared>>) target_semaphore(%arg12 : memref<!tpu.dma_semaphore, #tpu.memory_space<semaphore_mem>>)
    %dma_start3A_621 = arith.constant 0 : i32
    %dma_start3A_622 = tpu.memref_slice %arg8[%add3A_500, %dma_start3A_621] : memref<128x128xf32, #tpu.memory_space<vmem>> -> memref<1x128xf32, #tpu.memory_space<vmem>>
    %dma_start3A_623 = tpu.memref_squeeze %dma_start3A_622 : memref<1x128xf32, #tpu.memory_space<vmem>> -> memref<128xf32, #tpu.memory_space<vmem>>
    %dma_start3A_624 = tpu.memref_slice %arg10[%add3A_502] : memref<32768xf32, #tpu.memory_space<vmem_shared>> -> memref<128xf32, #tpu.memory_space<vmem_shared>>
    %dma_start3A_625 = tpu.memref_slice %arg10[%add3A_502] : memref<32768xf32, #tpu.memory_space<vmem_shared>> -> memref<128xf32, #tpu.memory_space<vmem_shared>>
    %dma_start3A_626 = arith.constant 0 : i32
    %dma_start3A_627 = tpu.memref_slice %arg8[%add3A_500, %dma_start3A_626] : memref<128x128xf32, #tpu.memory_space<vmem>> -> memref<1x128xf32, #tpu.memory_space<vmem>>
    %dma_start3A_628 = tpu.memref_squeeze %dma_start3A_627 : memref<1x128xf32, #tpu.memory_space<vmem>> -> memref<128xf32, #tpu.memory_space<vmem>>
    tpu.enqueue_dma source(%dma_start3A_628 : memref<128xf32, #tpu.memory_space<vmem>>) target(%dma_start3A_625 : memref<128xf32, #tpu.memory_space<vmem_shared>>) target_semaphore(%arg12 : memref<!tpu.dma_semaphore, #tpu.memory_space<semaphore_mem>>)
    %dma_start3A_629 = arith.constant 0 : i32
    %dma_start3A_630 = tpu.memref_slice %arg8[%add3A_506, %dma_start3A_629] : memref<128x128xf32, #tpu.memory_space<vmem>> -> memref<1x128xf32, #tpu.memory_space<vmem>>
    %dma_start3A_631 = tpu.memref_squeeze %dma_start3A_630 : memref<1x128xf32, #tpu.memory_space<vmem>> -> memref<128xf32, #tpu.memory_space<vmem>>
    %dma_start3A_632 = tpu.memref_slice %arg10[%add3A_508] : memref<32768xf32, #tpu.memory_space<vmem_shared>> -> memref<128xf32, #tpu.memory_space<vmem_shared>>
    %dma_start3A_633 = tpu.memref_slice %arg10[%add3A_508] : memref<32768xf32, #tpu.memory_space<vmem_shared>> -> memref<128xf32, #tpu.memory_space<vmem_shared>>
    %dma_start3A_634 = arith.constant 0 : i32
    %dma_start3A_635 = tpu.memref_slice %arg8[%add3A_506, %dma_start3A_634] : memref<128x128xf32, #tpu.memory_space<vmem>> -> memref<1x128xf32, #tpu.memory_space<vmem>>
    %dma_start3A_636 = tpu.memref_squeeze %dma_start3A_635 : memref<1x128xf32, #tpu.memory_space<vmem>> -> memref<128xf32, #tpu.memory_space<vmem>>
    tpu.enqueue_dma source(%dma_start3A_636 : memref<128xf32, #tpu.memory_space<vmem>>) target(%dma_start3A_633 : memref<128xf32, #tpu.memory_space<vmem_shared>>) target_semaphore(%arg12 : memref<!tpu.dma_semaphore, #tpu.memory_space<semaphore_mem>>)
    %dma_wait3A_637 = arith.constant 0 : i32
    %dma_wait3A_638 = tpu.memref_slice %arg8[%add3A_416, %dma_wait3A_637] : memref<128x128xf32, #tpu.memory_space<vmem>> -> memref<1x128xf32, #tpu.memory_space<vmem>>
    %dma_wait3A_639 = tpu.memref_squeeze %dma_wait3A_638 : memref<1x128xf32, #tpu.memory_space<vmem>> -> memref<128xf32, #tpu.memory_space<vmem>>
    %dma_wait3A_640 = tpu.memref_slice %arg10[%add3A_418] : memref<32768xf32, #tpu.memory_space<vmem_shared>> -> memref<128xf32, #tpu.memory_space<vmem_shared>>
    %dma_wait3A_641 = tpu.memref_slice %arg10[%add3A_418] : memref<32768xf32, #tpu.memory_space<vmem_shared>> -> memref<128xf32, #tpu.memory_space<vmem_shared>>
    %dma_wait3A_642 = arith.constant 0 : i32
    %dma_wait3A_643 = tpu.memref_slice %arg8[%add3A_416, %dma_wait3A_642] : memref<128x128xf32, #tpu.memory_space<vmem>> -> memref<1x128xf32, #tpu.memory_space<vmem>>
    %dma_wait3A_644 = tpu.memref_squeeze %dma_wait3A_643 : memref<1x128xf32, #tpu.memory_space<vmem>> -> memref<128xf32, #tpu.memory_space<vmem>>
    tpu.wait_dma2 semaphore(%arg12 : memref<!tpu.dma_semaphore, #tpu.memory_space<semaphore_mem>>) src(%dma_wait3A_644 : memref<128xf32, #tpu.memory_space<vmem>>) dst(%dma_wait3A_641 : memref<128xf32, #tpu.memory_space<vmem_shared>>)
    %dma_wait3A_645 = arith.constant 0 : i32
    %dma_wait3A_646 = tpu.memref_slice %arg8[%add3A_422, %dma_wait3A_645] : memref<128x128xf32, #tpu.memory_space<vmem>> -> memref<1x128xf32, #tpu.memory_space<vmem>>
    %dma_wait3A_647 = tpu.memref_squeeze %dma_wait3A_646 : memref<1x128xf32, #tpu.memory_space<vmem>> -> memref<128xf32, #tpu.memory_space<vmem>>
    %dma_wait3A_648 = tpu.memref_slice %arg10[%add3A_424] : memref<32768xf32, #tpu.memory_space<vmem_shared>> -> memref<128xf32, #tpu.memory_space<vmem_shared>>
    %dma_wait3A_649 = tpu.memref_slice %arg10[%add3A_424] : memref<32768xf32, #tpu.memory_space<vmem_shared>> -> memref<128xf32, #tpu.memory_space<vmem_shared>>
    %dma_wait3A_650 = arith.constant 0 : i32
    %dma_wait3A_651 = tpu.memref_slice %arg8[%add3A_422, %dma_wait3A_650] : memref<128x128xf32, #tpu.memory_space<vmem>> -> memref<1x128xf32, #tpu.memory_space<vmem>>
    %dma_wait3A_652 = tpu.memref_squeeze %dma_wait3A_651 : memref<1x128xf32, #tpu.memory_space<vmem>> -> memref<128xf32, #tpu.memory_space<vmem>>
    tpu.wait_dma2 semaphore(%arg12 : memref<!tpu.dma_semaphore, #tpu.memory_space<semaphore_mem>>) src(%dma_wait3A_652 : memref<128xf32, #tpu.memory_space<vmem>>) dst(%dma_wait3A_649 : memref<128xf32, #tpu.memory_space<vmem_shared>>)
    %dma_wait3A_653 = arith.constant 0 : i32
    %dma_wait3A_654 = tpu.memref_slice %arg8[%add3A_428, %dma_wait3A_653] : memref<128x128xf32, #tpu.memory_space<vmem>> -> memref<1x128xf32, #tpu.memory_space<vmem>>
    %dma_wait3A_655 = tpu.memref_squeeze %dma_wait3A_654 : memref<1x128xf32, #tpu.memory_space<vmem>> -> memref<128xf32, #tpu.memory_space<vmem>>
    %dma_wait3A_656 = tpu.memref_slice %arg10[%add3A_430] : memref<32768xf32, #tpu.memory_space<vmem_shared>> -> memref<128xf32, #tpu.memory_space<vmem_shared>>
    %dma_wait3A_657 = tpu.memref_slice %arg10[%add3A_430] : memref<32768xf32, #tpu.memory_space<vmem_shared>> -> memref<128xf32, #tpu.memory_space<vmem_shared>>
    %dma_wait3A_658 = arith.constant 0 : i32
    %dma_wait3A_659 = tpu.memref_slice %arg8[%add3A_428, %dma_wait3A_658] : memref<128x128xf32, #tpu.memory_space<vmem>> -> memref<1x128xf32, #tpu.memory_space<vmem>>
    %dma_wait3A_660 = tpu.memref_squeeze %dma_wait3A_659 : memref<1x128xf32, #tpu.memory_space<vmem>> -> memref<128xf32, #tpu.memory_space<vmem>>
    tpu.wait_dma2 semaphore(%arg12 : memref<!tpu.dma_semaphore, #tpu.memory_space<semaphore_mem>>) src(%dma_wait3A_660 : memref<128xf32, #tpu.memory_space<vmem>>) dst(%dma_wait3A_657 : memref<128xf32, #tpu.memory_space<vmem_shared>>)
    %dma_wait3A_661 = arith.constant 0 : i32
    %dma_wait3A_662 = tpu.memref_slice %arg8[%add3A_434, %dma_wait3A_661] : memref<128x128xf32, #tpu.memory_space<vmem>> -> memref<1x128xf32, #tpu.memory_space<vmem>>
    %dma_wait3A_663 = tpu.memref_squeeze %dma_wait3A_662 : memref<1x128xf32, #tpu.memory_space<vmem>> -> memref<128xf32, #tpu.memory_space<vmem>>
    %dma_wait3A_664 = tpu.memref_slice %arg10[%add3A_436] : memref<32768xf32, #tpu.memory_space<vmem_shared>> -> memref<128xf32, #tpu.memory_space<vmem_shared>>
    %dma_wait3A_665 = tpu.memref_slice %arg10[%add3A_436] : memref<32768xf32, #tpu.memory_space<vmem_shared>> -> memref<128xf32, #tpu.memory_space<vmem_shared>>
    %dma_wait3A_666 = arith.constant 0 : i32
    %dma_wait3A_667 = tpu.memref_slice %arg8[%add3A_434, %dma_wait3A_666] : memref<128x128xf32, #tpu.memory_space<vmem>> -> memref<1x128xf32, #tpu.memory_space<vmem>>
    %dma_wait3A_668 = tpu.memref_squeeze %dma_wait3A_667 : memref<1x128xf32, #tpu.memory_space<vmem>> -> memref<128xf32, #tpu.memory_space<vmem>>
    tpu.wait_dma2 semaphore(%arg12 : memref<!tpu.dma_semaphore, #tpu.memory_space<semaphore_mem>>) src(%dma_wait3A_668 : memref<128xf32, #tpu.memory_space<vmem>>) dst(%dma_wait3A_665 : memref<128xf32, #tpu.memory_space<vmem_shared>>)
    %dma_wait3A_669 = arith.constant 0 : i32
    %dma_wait3A_670 = tpu.memref_slice %arg8[%add3A_440, %dma_wait3A_669] : memref<128x128xf32, #tpu.memory_space<vmem>> -> memref<1x128xf32, #tpu.memory_space<vmem>>
    %dma_wait3A_671 = tpu.memref_squeeze %dma_wait3A_670 : memref<1x128xf32, #tpu.memory_space<vmem>> -> memref<128xf32, #tpu.memory_space<vmem>>
    %dma_wait3A_672 = tpu.memref_slice %arg10[%add3A_442] : memref<32768xf32, #tpu.memory_space<vmem_shared>> -> memref<128xf32, #tpu.memory_space<vmem_shared>>
    %dma_wait3A_673 = tpu.memref_slice %arg10[%add3A_442] : memref<32768xf32, #tpu.memory_space<vmem_shared>> -> memref<128xf32, #tpu.memory_space<vmem_shared>>
    %dma_wait3A_674 = arith.constant 0 : i32
    %dma_wait3A_675 = tpu.memref_slice %arg8[%add3A_440, %dma_wait3A_674] : memref<128x128xf32, #tpu.memory_space<vmem>> -> memref<1x128xf32, #tpu.memory_space<vmem>>
    %dma_wait3A_676 = tpu.memref_squeeze %dma_wait3A_675 : memref<1x128xf32, #tpu.memory_space<vmem>> -> memref<128xf32, #tpu.memory_space<vmem>>
    tpu.wait_dma2 semaphore(%arg12 : memref<!tpu.dma_semaphore, #tpu.memory_space<semaphore_mem>>) src(%dma_wait3A_676 : memref<128xf32, #tpu.memory_space<vmem>>) dst(%dma_wait3A_673 : memref<128xf32, #tpu.memory_space<vmem_shared>>)
    %dma_wait3A_677 = arith.constant 0 : i32
    %dma_wait3A_678 = tpu.memref_slice %arg8[%add3A_446, %dma_wait3A_677] : memref<128x128xf32, #tpu.memory_space<vmem>> -> memref<1x128xf32, #tpu.memory_space<vmem>>
    %dma_wait3A_679 = tpu.memref_squeeze %dma_wait3A_678 : memref<1x128xf32, #tpu.memory_space<vmem>> -> memref<128xf32, #tpu.memory_space<vmem>>
    %dma_wait3A_680 = tpu.memref_slice %arg10[%add3A_448] : memref<32768xf32, #tpu.memory_space<vmem_shared>> -> memref<128xf32, #tpu.memory_space<vmem_shared>>
    %dma_wait3A_681 = tpu.memref_slice %arg10[%add3A_448] : memref<32768xf32, #tpu.memory_space<vmem_shared>> -> memref<128xf32, #tpu.memory_space<vmem_shared>>
    %dma_wait3A_682 = arith.constant 0 : i32
    %dma_wait3A_683 = tpu.memref_slice %arg8[%add3A_446, %dma_wait3A_682] : memref<128x128xf32, #tpu.memory_space<vmem>> -> memref<1x128xf32, #tpu.memory_space<vmem>>
    %dma_wait3A_684 = tpu.memref_squeeze %dma_wait3A_683 : memref<1x128xf32, #tpu.memory_space<vmem>> -> memref<128xf32, #tpu.memory_space<vmem>>
    tpu.wait_dma2 semaphore(%arg12 : memref<!tpu.dma_semaphore, #tpu.memory_space<semaphore_mem>>) src(%dma_wait3A_684 : memref<128xf32, #tpu.memory_space<vmem>>) dst(%dma_wait3A_681 : memref<128xf32, #tpu.memory_space<vmem_shared>>)
    %dma_wait3A_685 = arith.constant 0 : i32
    %dma_wait3A_686 = tpu.memref_slice %arg8[%add3A_452, %dma_wait3A_685] : memref<128x128xf32, #tpu.memory_space<vmem>> -> memref<1x128xf32, #tpu.memory_space<vmem>>
    %dma_wait3A_687 = tpu.memref_squeeze %dma_wait3A_686 : memref<1x128xf32, #tpu.memory_space<vmem>> -> memref<128xf32, #tpu.memory_space<vmem>>
    %dma_wait3A_688 = tpu.memref_slice %arg10[%add3A_454] : memref<32768xf32, #tpu.memory_space<vmem_shared>> -> memref<128xf32, #tpu.memory_space<vmem_shared>>
    %dma_wait3A_689 = tpu.memref_slice %arg10[%add3A_454] : memref<32768xf32, #tpu.memory_space<vmem_shared>> -> memref<128xf32, #tpu.memory_space<vmem_shared>>
    %dma_wait3A_690 = arith.constant 0 : i32
    %dma_wait3A_691 = tpu.memref_slice %arg8[%add3A_452, %dma_wait3A_690] : memref<128x128xf32, #tpu.memory_space<vmem>> -> memref<1x128xf32, #tpu.memory_space<vmem>>
    %dma_wait3A_692 = tpu.memref_squeeze %dma_wait3A_691 : memref<1x128xf32, #tpu.memory_space<vmem>> -> memref<128xf32, #tpu.memory_space<vmem>>
    tpu.wait_dma2 semaphore(%arg12 : memref<!tpu.dma_semaphore, #tpu.memory_space<semaphore_mem>>) src(%dma_wait3A_692 : memref<128xf32, #tpu.memory_space<vmem>>) dst(%dma_wait3A_689 : memref<128xf32, #tpu.memory_space<vmem_shared>>)
    %dma_wait3A_693 = arith.constant 0 : i32
    %dma_wait3A_694 = tpu.memref_slice %arg8[%add3A_458, %dma_wait3A_693] : memref<128x128xf32, #tpu.memory_space<vmem>> -> memref<1x128xf32, #tpu.memory_space<vmem>>
    %dma_wait3A_695 = tpu.memref_squeeze %dma_wait3A_694 : memref<1x128xf32, #tpu.memory_space<vmem>> -> memref<128xf32, #tpu.memory_space<vmem>>
    %dma_wait3A_696 = tpu.memref_slice %arg10[%add3A_460] : memref<32768xf32, #tpu.memory_space<vmem_shared>> -> memref<128xf32, #tpu.memory_space<vmem_shared>>
    %dma_wait3A_697 = tpu.memref_slice %arg10[%add3A_460] : memref<32768xf32, #tpu.memory_space<vmem_shared>> -> memref<128xf32, #tpu.memory_space<vmem_shared>>
    %dma_wait3A_698 = arith.constant 0 : i32
    %dma_wait3A_699 = tpu.memref_slice %arg8[%add3A_458, %dma_wait3A_698] : memref<128x128xf32, #tpu.memory_space<vmem>> -> memref<1x128xf32, #tpu.memory_space<vmem>>
    %dma_wait3A_700 = tpu.memref_squeeze %dma_wait3A_699 : memref<1x128xf32, #tpu.memory_space<vmem>> -> memref<128xf32, #tpu.memory_space<vmem>>
    tpu.wait_dma2 semaphore(%arg12 : memref<!tpu.dma_semaphore, #tpu.memory_space<semaphore_mem>>) src(%dma_wait3A_700 : memref<128xf32, #tpu.memory_space<vmem>>) dst(%dma_wait3A_697 : memref<128xf32, #tpu.memory_space<vmem_shared>>)
    %dma_wait3A_701 = arith.constant 0 : i32
    %dma_wait3A_702 = tpu.memref_slice %arg8[%add3A_464, %dma_wait3A_701] : memref<128x128xf32, #tpu.memory_space<vmem>> -> memref<1x128xf32, #tpu.memory_space<vmem>>
    %dma_wait3A_703 = tpu.memref_squeeze %dma_wait3A_702 : memref<1x128xf32, #tpu.memory_space<vmem>> -> memref<128xf32, #tpu.memory_space<vmem>>
    %dma_wait3A_704 = tpu.memref_slice %arg10[%add3A_466] : memref<32768xf32, #tpu.memory_space<vmem_shared>> -> memref<128xf32, #tpu.memory_space<vmem_shared>>
    %dma_wait3A_705 = tpu.memref_slice %arg10[%add3A_466] : memref<32768xf32, #tpu.memory_space<vmem_shared>> -> memref<128xf32, #tpu.memory_space<vmem_shared>>
    %dma_wait3A_706 = arith.constant 0 : i32
    %dma_wait3A_707 = tpu.memref_slice %arg8[%add3A_464, %dma_wait3A_706] : memref<128x128xf32, #tpu.memory_space<vmem>> -> memref<1x128xf32, #tpu.memory_space<vmem>>
    %dma_wait3A_708 = tpu.memref_squeeze %dma_wait3A_707 : memref<1x128xf32, #tpu.memory_space<vmem>> -> memref<128xf32, #tpu.memory_space<vmem>>
    tpu.wait_dma2 semaphore(%arg12 : memref<!tpu.dma_semaphore, #tpu.memory_space<semaphore_mem>>) src(%dma_wait3A_708 : memref<128xf32, #tpu.memory_space<vmem>>) dst(%dma_wait3A_705 : memref<128xf32, #tpu.memory_space<vmem_shared>>)
    %dma_wait3A_709 = arith.constant 0 : i32
    %dma_wait3A_710 = tpu.memref_slice %arg8[%add3A_470, %dma_wait3A_709] : memref<128x128xf32, #tpu.memory_space<vmem>> -> memref<1x128xf32, #tpu.memory_space<vmem>>
    %dma_wait3A_711 = tpu.memref_squeeze %dma_wait3A_710 : memref<1x128xf32, #tpu.memory_space<vmem>> -> memref<128xf32, #tpu.memory_space<vmem>>
    %dma_wait3A_712 = tpu.memref_slice %arg10[%add3A_472] : memref<32768xf32, #tpu.memory_space<vmem_shared>> -> memref<128xf32, #tpu.memory_space<vmem_shared>>
    %dma_wait3A_713 = tpu.memref_slice %arg10[%add3A_472] : memref<32768xf32, #tpu.memory_space<vmem_shared>> -> memref<128xf32, #tpu.memory_space<vmem_shared>>
    %dma_wait3A_714 = arith.constant 0 : i32
    %dma_wait3A_715 = tpu.memref_slice %arg8[%add3A_470, %dma_wait3A_714] : memref<128x128xf32, #tpu.memory_space<vmem>> -> memref<1x128xf32, #tpu.memory_space<vmem>>
    %dma_wait3A_716 = tpu.memref_squeeze %dma_wait3A_715 : memref<1x128xf32, #tpu.memory_space<vmem>> -> memref<128xf32, #tpu.memory_space<vmem>>
    tpu.wait_dma2 semaphore(%arg12 : memref<!tpu.dma_semaphore, #tpu.memory_space<semaphore_mem>>) src(%dma_wait3A_716 : memref<128xf32, #tpu.memory_space<vmem>>) dst(%dma_wait3A_713 : memref<128xf32, #tpu.memory_space<vmem_shared>>)
    %dma_wait3A_717 = arith.constant 0 : i32
    %dma_wait3A_718 = tpu.memref_slice %arg8[%add3A_476, %dma_wait3A_717] : memref<128x128xf32, #tpu.memory_space<vmem>> -> memref<1x128xf32, #tpu.memory_space<vmem>>
    %dma_wait3A_719 = tpu.memref_squeeze %dma_wait3A_718 : memref<1x128xf32, #tpu.memory_space<vmem>> -> memref<128xf32, #tpu.memory_space<vmem>>
    %dma_wait3A_720 = tpu.memref_slice %arg10[%add3A_478] : memref<32768xf32, #tpu.memory_space<vmem_shared>> -> memref<128xf32, #tpu.memory_space<vmem_shared>>
    %dma_wait3A_721 = tpu.memref_slice %arg10[%add3A_478] : memref<32768xf32, #tpu.memory_space<vmem_shared>> -> memref<128xf32, #tpu.memory_space<vmem_shared>>
    %dma_wait3A_722 = arith.constant 0 : i32
    %dma_wait3A_723 = tpu.memref_slice %arg8[%add3A_476, %dma_wait3A_722] : memref<128x128xf32, #tpu.memory_space<vmem>> -> memref<1x128xf32, #tpu.memory_space<vmem>>
    %dma_wait3A_724 = tpu.memref_squeeze %dma_wait3A_723 : memref<1x128xf32, #tpu.memory_space<vmem>> -> memref<128xf32, #tpu.memory_space<vmem>>
    tpu.wait_dma2 semaphore(%arg12 : memref<!tpu.dma_semaphore, #tpu.memory_space<semaphore_mem>>) src(%dma_wait3A_724 : memref<128xf32, #tpu.memory_space<vmem>>) dst(%dma_wait3A_721 : memref<128xf32, #tpu.memory_space<vmem_shared>>)
    %dma_wait3A_725 = arith.constant 0 : i32
    %dma_wait3A_726 = tpu.memref_slice %arg8[%add3A_482, %dma_wait3A_725] : memref<128x128xf32, #tpu.memory_space<vmem>> -> memref<1x128xf32, #tpu.memory_space<vmem>>
    %dma_wait3A_727 = tpu.memref_squeeze %dma_wait3A_726 : memref<1x128xf32, #tpu.memory_space<vmem>> -> memref<128xf32, #tpu.memory_space<vmem>>
    %dma_wait3A_728 = tpu.memref_slice %arg10[%add3A_484] : memref<32768xf32, #tpu.memory_space<vmem_shared>> -> memref<128xf32, #tpu.memory_space<vmem_shared>>
    %dma_wait3A_729 = tpu.memref_slice %arg10[%add3A_484] : memref<32768xf32, #tpu.memory_space<vmem_shared>> -> memref<128xf32, #tpu.memory_space<vmem_shared>>
    %dma_wait3A_730 = arith.constant 0 : i32
    %dma_wait3A_731 = tpu.memref_slice %arg8[%add3A_482, %dma_wait3A_730] : memref<128x128xf32, #tpu.memory_space<vmem>> -> memref<1x128xf32, #tpu.memory_space<vmem>>
    %dma_wait3A_732 = tpu.memref_squeeze %dma_wait3A_731 : memref<1x128xf32, #tpu.memory_space<vmem>> -> memref<128xf32, #tpu.memory_space<vmem>>
    tpu.wait_dma2 semaphore(%arg12 : memref<!tpu.dma_semaphore, #tpu.memory_space<semaphore_mem>>) src(%dma_wait3A_732 : memref<128xf32, #tpu.memory_space<vmem>>) dst(%dma_wait3A_729 : memref<128xf32, #tpu.memory_space<vmem_shared>>)
    %dma_wait3A_733 = arith.constant 0 : i32
    %dma_wait3A_734 = tpu.memref_slice %arg8[%add3A_488, %dma_wait3A_733] : memref<128x128xf32, #tpu.memory_space<vmem>> -> memref<1x128xf32, #tpu.memory_space<vmem>>
    %dma_wait3A_735 = tpu.memref_squeeze %dma_wait3A_734 : memref<1x128xf32, #tpu.memory_space<vmem>> -> memref<128xf32, #tpu.memory_space<vmem>>
    %dma_wait3A_736 = tpu.memref_slice %arg10[%add3A_490] : memref<32768xf32, #tpu.memory_space<vmem_shared>> -> memref<128xf32, #tpu.memory_space<vmem_shared>>
    %dma_wait3A_737 = tpu.memref_slice %arg10[%add3A_490] : memref<32768xf32, #tpu.memory_space<vmem_shared>> -> memref<128xf32, #tpu.memory_space<vmem_shared>>
    %dma_wait3A_738 = arith.constant 0 : i32
    %dma_wait3A_739 = tpu.memref_slice %arg8[%add3A_488, %dma_wait3A_738] : memref<128x128xf32, #tpu.memory_space<vmem>> -> memref<1x128xf32, #tpu.memory_space<vmem>>
    %dma_wait3A_740 = tpu.memref_squeeze %dma_wait3A_739 : memref<1x128xf32, #tpu.memory_space<vmem>> -> memref<128xf32, #tpu.memory_space<vmem>>
    tpu.wait_dma2 semaphore(%arg12 : memref<!tpu.dma_semaphore, #tpu.memory_space<semaphore_mem>>) src(%dma_wait3A_740 : memref<128xf32, #tpu.memory_space<vmem>>) dst(%dma_wait3A_737 : memref<128xf32, #tpu.memory_space<vmem_shared>>)
    %dma_wait3A_741 = arith.constant 0 : i32
    %dma_wait3A_742 = tpu.memref_slice %arg8[%add3A_494, %dma_wait3A_741] : memref<128x128xf32, #tpu.memory_space<vmem>> -> memref<1x128xf32, #tpu.memory_space<vmem>>
    %dma_wait3A_743 = tpu.memref_squeeze %dma_wait3A_742 : memref<1x128xf32, #tpu.memory_space<vmem>> -> memref<128xf32, #tpu.memory_space<vmem>>
    %dma_wait3A_744 = tpu.memref_slice %arg10[%add3A_496] : memref<32768xf32, #tpu.memory_space<vmem_shared>> -> memref<128xf32, #tpu.memory_space<vmem_shared>>
    %dma_wait3A_745 = tpu.memref_slice %arg10[%add3A_496] : memref<32768xf32, #tpu.memory_space<vmem_shared>> -> memref<128xf32, #tpu.memory_space<vmem_shared>>
    %dma_wait3A_746 = arith.constant 0 : i32
    %dma_wait3A_747 = tpu.memref_slice %arg8[%add3A_494, %dma_wait3A_746] : memref<128x128xf32, #tpu.memory_space<vmem>> -> memref<1x128xf32, #tpu.memory_space<vmem>>
    %dma_wait3A_748 = tpu.memref_squeeze %dma_wait3A_747 : memref<1x128xf32, #tpu.memory_space<vmem>> -> memref<128xf32, #tpu.memory_space<vmem>>
    tpu.wait_dma2 semaphore(%arg12 : memref<!tpu.dma_semaphore, #tpu.memory_space<semaphore_mem>>) src(%dma_wait3A_748 : memref<128xf32, #tpu.memory_space<vmem>>) dst(%dma_wait3A_745 : memref<128xf32, #tpu.memory_space<vmem_shared>>)
    %dma_wait3A_749 = arith.constant 0 : i32
    %dma_wait3A_750 = tpu.memref_slice %arg8[%add3A_500, %dma_wait3A_749] : memref<128x128xf32, #tpu.memory_space<vmem>> -> memref<1x128xf32, #tpu.memory_space<vmem>>
    %dma_wait3A_751 = tpu.memref_squeeze %dma_wait3A_750 : memref<1x128xf32, #tpu.memory_space<vmem>> -> memref<128xf32, #tpu.memory_space<vmem>>
    %dma_wait3A_752 = tpu.memref_slice %arg10[%add3A_502] : memref<32768xf32, #tpu.memory_space<vmem_shared>> -> memref<128xf32, #tpu.memory_space<vmem_shared>>
    %dma_wait3A_753 = tpu.memref_slice %arg10[%add3A_502] : memref<32768xf32, #tpu.memory_space<vmem_shared>> -> memref<128xf32, #tpu.memory_space<vmem_shared>>
    %dma_wait3A_754 = arith.constant 0 : i32
    %dma_wait3A_755 = tpu.memref_slice %arg8[%add3A_500, %dma_wait3A_754] : memref<128x128xf32, #tpu.memory_space<vmem>> -> memref<1x128xf32, #tpu.memory_space<vmem>>
    %dma_wait3A_756 = tpu.memref_squeeze %dma_wait3A_755 : memref<1x128xf32, #tpu.memory_space<vmem>> -> memref<128xf32, #tpu.memory_space<vmem>>
    tpu.wait_dma2 semaphore(%arg12 : memref<!tpu.dma_semaphore, #tpu.memory_space<semaphore_mem>>) src(%dma_wait3A_756 : memref<128xf32, #tpu.memory_space<vmem>>) dst(%dma_wait3A_753 : memref<128xf32, #tpu.memory_space<vmem_shared>>)
    %dma_wait3A_757 = arith.constant 0 : i32
    %dma_wait3A_758 = tpu.memref_slice %arg8[%add3A_506, %dma_wait3A_757] : memref<128x128xf32, #tpu.memory_space<vmem>> -> memref<1x128xf32, #tpu.memory_space<vmem>>
    %dma_wait3A_759 = tpu.memref_squeeze %dma_wait3A_758 : memref<1x128xf32, #tpu.memory_space<vmem>> -> memref<128xf32, #tpu.memory_space<vmem>>
    %dma_wait3A_760 = tpu.memref_slice %arg10[%add3A_508] : memref<32768xf32, #tpu.memory_space<vmem_shared>> -> memref<128xf32, #tpu.memory_space<vmem_shared>>
    %dma_wait3A_761 = tpu.memref_slice %arg10[%add3A_508] : memref<32768xf32, #tpu.memory_space<vmem_shared>> -> memref<128xf32, #tpu.memory_space<vmem_shared>>
    %dma_wait3A_762 = arith.constant 0 : i32
    %dma_wait3A_763 = tpu.memref_slice %arg8[%add3A_506, %dma_wait3A_762] : memref<128x128xf32, #tpu.memory_space<vmem>> -> memref<1x128xf32, #tpu.memory_space<vmem>>
    %dma_wait3A_764 = tpu.memref_squeeze %dma_wait3A_763 : memref<1x128xf32, #tpu.memory_space<vmem>> -> memref<128xf32, #tpu.memory_space<vmem>>
    tpu.wait_dma2 semaphore(%arg12 : memref<!tpu.dma_semaphore, #tpu.memory_space<semaphore_mem>>) src(%dma_wait3A_764 : memref<128xf32, #tpu.memory_space<vmem>>) dst(%dma_wait3A_761 : memref<128xf32, #tpu.memory_space<vmem_shared>>)
    %iota3A = tpu.iota {dimensions = array<i32: 0>} : vector<16xi32>
    %mul3A_765 = arith.constant 128 : i32
    %mul3A_766 = vector.broadcast %mul3A_765 : i32 to vector<16xi32>
    %mul3A_767 = arith.muli %iota3A, %mul3A_766 : vector<16xi32>
    %add3A_768 = vector.broadcast %mul3A_412 : i32 to vector<16xi32>
    %add3A_769 = arith.addi %add3A_768, %mul3A_767 : vector<16xi32>
    %get3A_770 = arith.constant 0 : index
    %get3A_771 = tpu.vector_load %arg6[%get3A_770] {strides = array<i32>} : memref<16xi32, #tpu.memory_space<vmem>>, vector<16xi32>,
    %get3A_772 = vector.shape_cast %get3A_771 : vector<16xi32> to vector<16xi32>
    %and3A_773 = arith.constant 127 : i32
    %and3A_774 = vector.broadcast %and3A_773 : i32 to vector<16xi32>
    %and3A_775 = arith.andi %get3A_772, %and3A_774 : vector<16xi32>
    %add3A_776 = arith.addi %add3A_769, %and3A_775 : vector<16xi32>
    %dma_start3A_777 = arith.constant 0 : i32
    %dma_start3A_778 = tpu.memref_slice %arg10[%dma_start3A_777] : memref<32768xf32, #tpu.memory_space<vmem_shared>> -> memref<32768xf32, #tpu.memory_space<vmem_shared>>
    tpu.enqueue_indirect_dma source(%dma_start3A_778 : memref<32768xf32, #tpu.memory_space<vmem_shared>>) target(%arg9 : memref<16xf32, #tpu.memory_space<vmem>>) offsets(%add3A_776 : vector<16xi32>) semaphore(%arg11 : memref<!tpu.dma_semaphore, #tpu.memory_space<semaphore_mem>>)
    %dma_wait3A_779 = arith.constant 0 : i32
    %dma_wait3A_780 = tpu.memref_slice %arg10[%dma_wait3A_779] : memref<32768xf32, #tpu.memory_space<vmem_shared>> -> memref<32768xf32, #tpu.memory_space<vmem_shared>>
    tpu.wait_indirect_dma semaphore(%arg11 : memref<!tpu.dma_semaphore, #tpu.memory_space<semaphore_mem>>) src(%dma_wait3A_780 : memref<32768xf32, #tpu.memory_space<vmem_shared>>) dst(%arg9 : memref<16xf32, #tpu.memory_space<vmem>>)
    %mul3A_781 = arith.constant 16 : i32
    %mul3A_782 = arith.muli %select_n3A_30, %mul3A_781 : i32
    "tpu.region"() ({
      %run_scoped3A = tpu.sem_alloc : memref<!tpu.dma_semaphore, #tpu.memory_space<semaphore_mem>>
      %dma_start3A_783 = tpu.memref_slice %arg5[%select_n3A, %mul3A_782] : memref<8x64xf32, #tpu.memory_space<hbm>> -> memref<1x16xf32, #tpu.memory_space<hbm>>
      %dma_start3A_784 = tpu.memref_squeeze %dma_start3A_783 : memref<1x16xf32, #tpu.memory_space<hbm>> -> memref<16xf32, #tpu.memory_space<hbm>>
      %dma_start3A_785 = tpu.memref_slice %arg5[%select_n3A, %mul3A_782] : memref<8x64xf32, #tpu.memory_space<hbm>> -> memref<1x16xf32, #tpu.memory_space<hbm>>
      %dma_start3A_786 = tpu.memref_squeeze %dma_start3A_785 : memref<1x16xf32, #tpu.memory_space<hbm>> -> memref<16xf32, #tpu.memory_space<hbm>>
      tpu.enqueue_dma source(%arg9 : memref<16xf32, #tpu.memory_space<vmem>>) target(%dma_start3A_786 : memref<16xf32, #tpu.memory_space<hbm>>) target_semaphore(%run_scoped3A : memref<!tpu.dma_semaphore, #tpu.memory_space<semaphore_mem>>)
      %dma_wait3A_787 = tpu.memref_slice %arg5[%select_n3A, %mul3A_782] : memref<8x64xf32, #tpu.memory_space<hbm>> -> memref<1x16xf32, #tpu.memory_space<hbm>>
      %dma_wait3A_788 = tpu.memref_squeeze %dma_wait3A_787 : memref<1x16xf32, #tpu.memory_space<hbm>> -> memref<16xf32, #tpu.memory_space<hbm>>
      %dma_wait3A_789 = tpu.memref_slice %arg5[%select_n3A, %mul3A_782] : memref<8x64xf32, #tpu.memory_space<hbm>> -> memref<1x16xf32, #tpu.memory_space<hbm>>
      %dma_wait3A_790 = tpu.memref_squeeze %dma_wait3A_789 : memref<1x16xf32, #tpu.memory_space<hbm>> -> memref<16xf32, #tpu.memory_space<hbm>>
      tpu.wait_dma2 semaphore(%run_scoped3A : memref<!tpu.dma_semaphore, #tpu.memory_space<semaphore_mem>>) src(%arg9 : memref<16xf32, #tpu.memory_space<vmem>>) dst(%dma_wait3A_790 : memref<16xf32, #tpu.memory_space<hbm>>)
      tpu.yield
    }) : () -> ()
    return
  }
}

</mosaic_0001>

<sc_bundles>
// kernel: kernel.3.cloned.1.call-start
scs
__scs_entry_jumppad:
0x0: {  	(pc) =	sbr.rel $0x88, $3  }
0x1: {  	(tag) =	ssettag $0x0;
	lr =	simm.s32 $0x1  }
0x2: {  	[smem:$0x3F9E] =	sst lr;
	_ =	strace $0xD0000000  }
0x3: {  	_ = 	snop  }
0x4: {  	_ = 	snop  }
0x5: {  	_ = 	snop  }
0x6: {  	_ = 	snop  }
0x7: {  	_ = 	snop  }
__scs_overlays_trampoline_lowered:
0x8: {  	[smem:$0x3FAD] =	sst s0  }
0x9: {  	[smem:$0x3FAE] =	sst s1  }
0xa: {  	[smem:$0x3FAF] =	sst s2  }
0xb: {  	[smem:$0x3FB0] =	sst s3  }
0xc: {  	[smem:$0x3FB1] =	sst s4  }
0xd: {  	[smem:$0x3FB2] =	sst s5  }
0xe: {  	[smem:$0x3FB3] =	sst s6  }
0xf: {  	[smem:$0x3FB4] =	sst s7  }
0x10: {  	[smem:$0x3FB5] =	sst s8  }
0x11: {  	[smem:$0x3FB6] =	sst s9;
	s0 =	simm.s32 @!p0 $0x0  }
0x12: {  	s1 =	sld [smem:$0x3F9C];
	s0 =	simm.s32 @p0 $0x1  }
0x13: {  	[smem:$0x3FB7] =	sst s0;
	s0 =	simm.s32 @!p1 $0x0  }
0x14: {  	s2 =	sld [smem:$0x3F9B];
	s0 =	simm.s32 @p1 $0x1  }
0x15: {  	[smem:$0x3FB8] =	sst s0;
	s0 =	simm.s32 @!p2 $0x0  }
0x16: {  	s3 =	sld [smem:$0x3FDB];
	s0 =	simm.s32 @p2 $0x1  }
0x17: {  	s4 =	simm.s32 $0x1BF5;
	[smem:$0x3FBA] =	sst s0  }
0x18: {  	s0 =	sld [smem:$0x3F9D];
	_ =	swait.ge [sflag:s4], $0x0  }
0x19: {  	s7 =	sld [smem:$0x3F9E]  }
0x1a: {  	s8 =	sadd.s32 $0xFFFFE003, lr  }
0x1b: {  	s9 =	sadd.s32 $0xFFFFFEF7, lr;
	s5 =	simm.s32 $0xFFFFFFFF;
	p2 =	slt.u32 s8, $0xFFFFF086  }
0x1c: {  	p1 =	slt.u32 s9, $0xF7A;
	s5 =	simm.s32 @!p2 $0x0  }
0x1d: {  	s5 =	simm.s32 @p1 $0x1;
	p0 =	seq.s32 s7, s2  }
0x1e: {  	s7 =	smul.u32 @!p0 $0xF7A, s2;
	p2 =	seq.s32 @!p0 s5, $0x0  }
0x1f: {  	s9 =	smul.u32 $0xF7A, s1;
	s8 =	simm.s32 @!p0 $0x1BF5;
	p2 =	por !p2, p0  }
0x20: {  	[sflag:s8] =	ssyncset.s32 @!p0 $0xFFFFF086;
	s6 =	sadd.s32 @!p0 s3, s7;
	s7 =	simm.s32 @!p0 $0x108  }
0x21: {  	s3 =	sadd.s32 s3, s9;
	s6 =	sadd.s32 @!p0 $0x88, s6;
	s7 =	simm.s32 @p2 $0x1082  }
0x22: {  	[simem:s7], [sflag:s8] =	dma.local @!p0 [hbm:s6], $0xF7A  }
0x23: {  	s9 =	sor.u32 $0xD0000000, s2;
	s6 =	simm.s32 $0x108;
	_ =	swait.ge @!p0 [sflag:s8], $0x0  }
0x24: {  	s3 =	sadd.s32 $0x88, s3;
	s6 =	simm.s32 @!p1 $0x1082;
	[sflag:s4] =	ssyncset.s32 $0xFFFFF086  }
0x25: {  	[simem:s6], [sflag:s4] =	dma.local [hbm:s3], $0xF7A  }
0x26: {  	[smem:$0x3F9E] =	sst s1;
	(tag) =	ssettag s2;
	_ =	strace s9  }
0x27: {  	s1 =	sld [smem:$0x3FAE]  }
0x28: {  	s2 =	sld [smem:$0x3FAF]  }
0x29: {  	s4 =	sld [smem:$0x3FB1]  }
0x2a: {  	p0 =	seq.s32 s5, $0x0;
	s5 =	sld [smem:$0x3FB2]  }
0x2b: {  	s6 =	sld [smem:$0x3FB3]  }
0x2c: {  	s7 =	sld [smem:$0x3FB4]  }
0x2d: {  	s3 =	simm.s32 $0x108;
	s8 =	sld [smem:$0x3FB5]  }
0x2e: {  	s3 =	simm.s32 @!p0 $0x1082;
	s9 =	sld [smem:$0x3FB6]  }
0x2f: {  	lr =	sadd.s32 s0, s3;
	s0 =	sld [smem:$0x3FAD]  }
0x30: {  	s3 =	sld [smem:$0x3FB0]  }
0x31: {  	[smem:$0x3FB9] =	sst s10  }
0x32: {  	s10 =	sld [smem:$0x3FB7];
	_ =	sdelay $0x3  }
0x33: {  	p0 =	seq.s32 s10, $0x1;
	s10 =	sld [smem:$0x3FB9];
	_ =	sdelay $0x3  }
0x34: {  	[smem:$0x3FB9] =	sst s10  }
0x35: {  	s10 =	sld [smem:$0x3FB8];
	_ =	sdelay $0x3  }
0x36: {  	p1 =	seq.s32 s10, $0x1;
	s10 =	sld [smem:$0x3FB9];
	_ =	sdelay $0x3  }
0x37: {  	[smem:$0x3FB9] =	sst s10  }
0x38: {  	s10 =	sld [smem:$0x3FBA]  }
0x39: {  	_ = 	snop;
	(pc) =	sbr.ind lr, $3  }
0x3a: {  	_ = 	snop  }
0x3b: {  	_ = 	snop  }
0x3c: {  	p2 =	seq.s32 s10, $0x1;
	s10 =	sld [smem:$0x3FB9]  }
0x3d: {  	_ =	shalt  }
0x3e: {  	_ =	shalt  }
0x3f: {  	_ =	shalt  }
0x40: {  	_ =	shalt  }
0x41: {  	_ =	shalt  }
0x42: {  	_ =	shalt  }
0x43: {  	_ =	shalt  }
0x44: {  	_ =	shalt  }
0x45: {  	_ =	shalt  }
0x46: {  	_ =	shalt  }
0x47: {  	_ =	shalt  }
0x48: {  	_ =	shalt  }
0x49: {  	_ =	shalt  }
0x4a: {  	_ =	shalt  }
0x4b: {  	_ =	shalt  }
0x4c: {  	_ =	shalt  }
0x4d: {  	_ =	shalt  }
0x4e: {  	_ =	shalt  }
0x4f: {  	_ =	shalt  }
0x50: {  	_ =	shalt  }
0x51: {  	_ =	shalt  }
0x52: {  	_ =	shalt  }
0x53: {  	_ =	shalt  }
0x54: {  	_ =	shalt  }
0x55: {  	_ =	shalt  }
0x56: {  	_ =	shalt  }
0x57: {  	_ =	shalt  }
0x58: {  	_ =	shalt  }
0x59: {  	_ =	shalt  }
0x5a: {  	_ =	shalt  }
0x5b: {  	_ =	shalt  }
0x5c: {  	_ =	shalt  }
0x5d: {  	_ =	shalt  }
0x5e: {  	_ =	shalt  }
0x5f: {  	_ =	shalt  }
0x60: {  	_ =	shalt  }
0x61: {  	_ =	shalt  }
0x62: {  	_ =	shalt  }
0x63: {  	_ =	shalt  }
0x64: {  	_ =	shalt  }
0x65: {  	_ =	shalt  }
0x66: {  	_ =	shalt  }
0x67: {  	_ =	shalt  }
0x68: {  	_ =	shalt  }
0x69: {  	_ =	shalt  }
0x6a: {  	_ =	shalt  }
0x6b: {  	_ =	shalt  }
0x6c: {  	_ =	shalt  }
0x6d: {  	_ =	shalt  }
0x6e: {  	_ =	shalt  }
0x6f: {  	_ =	shalt  }
0x70: {  	_ =	shalt  }
0x71: {  	_ =	shalt  }
0x72: {  	_ =	shalt  }
0x73: {  	_ =	shalt  }
0x74: {  	_ =	shalt  }
0x75: {  	_ =	shalt  }
0x76: {  	_ =	shalt  }
0x77: {  	_ =	shalt  }
0x78: {  	_ =	shalt  }
0x79: {  	_ =	shalt  }
0x7a: {  	_ =	shalt  }
0x7b: {  	_ =	shalt  }
0x7c: {  	_ =	shalt  }
0x7d: {  	_ =	shalt  }
0x7e: {  	_ =	shalt  }
0x7f: {  	_ =	shalt  }
0x80: {  	_ =	shalt  }
0x81: {  	_ =	shalt  }
0x82: {  	_ =	shalt  }
0x83: {  	_ =	shalt  }
0x84: {  	_ =	shalt  }
0x85: {  	_ =	shalt  }
0x86: {  	_ =	shalt  }
0x87: {  	_ =	shalt  }
.Lfunc_end0:
.L_simem_size_0:
called_computation_lowered:
.L_overlay_start_0:
0x88: {  	s2 =	sld [smem:$0x3FD9]  }
0x89: {  	s3 =	sld [smem:$0x3FFE];
	_ =	sdelay $0x1  }
0x8a: {  	s1 =	srdreg.scid  }
0x8b: {  	s0 =	sand.u32 $0x1, s1  }
0x8c: {  	s18 =	sshll.u32 s0, $0xA;
	s2 =	sadd.s32 s3, s2  }
0x8d: {  	s2 =	sadd.s32 s2, s18  }
0x8e: {  	[smem:$0x3FC5] =	sst s2  }
0x8f: {  	_ = 	snop  }
0x90: {  	s2 =	sld [smem:$0x3FC9]  }
0x91: {  	s19 =	sld [smem:$0x3FC8]  }
0x92: {  	s4 =	sld [smem:$0x3FC7]  }
0x93: {  	s5 =	sld [smem:$0x3FD0];
	(tm) =	ssettm $0x1  }
0x94: {  	s6 =	sld [smem:$0x3FFB];
	_ =	sdelay $0x3  }
0x95: {  	_ =	strace s6  }
0x96: {  	s6 =	sld [smem:$0x3FFC];
	_ =	sdelay $0x3  }
0x97: {  	_ =	strace s6  }
0x98: {  	s6 =	sld [smem:$0x3FFD];
	_ =	sdelay $0x3  }
0x99: {  	_ =	strace s6  }
0x9a: {  	_ =	strace $0x8FFFFFFF  }
0x9b: {  	s20 =	sld [smem:$0x3FDB];
	_ =	sdelay $0x1  }
0x9c: {  	s7 =	simm.s32 $_scs_section_size  }
0x9d: {  	s8 =	simm.s32 $_size__tile_overlayer_lowered;
	s9 =	simm.s32 $_tile_overlayer_lowered  }
0x9e: {  	s23 =	simm.s32 $0x1BFF;
	s22 =	sshll.u32 s9, $0x1;
	s6 =	sadd.s32 s7, s20  }
0x9f: {  	s10 =	simm.s32 $0x0;
	s21 =	sshll.u32 s8, $0x1;
	s8 =	sadd.s32 s22, s6  }
0xa0: {  	[timem:s10], [sflag:s23] =	dma.local [hbm:s8], s21  }
0xa1: {  	_ =	swait.ge [sflag:s23], s21  }
0xa2: {  	s7 =	ssub.s32 $0x0, s21;
	[sflag:s23] =	ssyncset.done $0x0  }
0xa3: {  	[sflag:s23] =	ssyncadd.s32 s7;
	_ =	sdelay $0x1  }
0xa4: {  	s24 =	simm.s32 $0x1B8B  }
0xa5: {  	_ =	swait.ge [sflag:s24], $0x1  }
0xa6: {  	[sflag:s24] =	ssyncset.done $0x0  }
0xa7: {  	s25 =	simm.s32 $0x1B8E;
	[sflag:s24] =	ssyncadd.s32 $0xFFFFFFFF  }
0xa8: {  	s26 =	simm.s32 $execute0_lowered;
	[smem:$0x3FD2] =	sst s25  }
0xa9: {  	s7 =	sshll.u32 s26, $0x1;
	_ =	strace $0x80000046;
	[dreg:$0x1] =	wrdreg $0xFFFFFFFF  }
0xaa: {  	s28 =	simm.s32 $_size_execute0_lowered;
	s6 =	sadd.s32 s6, s7;
	[dreg:$0x0] =	wrdreg $0x0  }
0xab: {  	s7 =	sshll.u32 s28, $0x1;
	[dreg:$0x2] =	wrdreg s6  }
0xac: {  	[dreg:$0x3] =	wrdreg s7  }
0xad: {  	[dreg:$0x4] =	wrdreg $0xC0  }
0xae: {  	_ =	task [dreg:s10], $0x5FFFF  }
0xaf: {  	[dreg:$0x1] =	wrdreg $0xFFFFFFFF  }
0xb0: {  	[dreg:$0x0] =	wrdreg $0x60  }
0xb1: {  	[dreg:$0x2] =	wrdreg s2  }
0xb2: {  	[dreg:$0x3] =	wrdreg s19  }
0xb3: {  	[dreg:$0x4] =	wrdreg s4  }
0xb4: {  	[dreg:$0x5] =	wrdreg s5  }
0xb5: {  	[dreg:$0x6] =	wrdreg $0x41800  }
0xb6: {  	[dreg:$0x7] =	wrdreg $0x9  }
0xb7: {  	_ =	task.clear_ibuf [dreg:s10], $0x8FFFF;
	_ =	strace $0x90000046  }
0xb8: {  	s29 =	simm.s32 $0x9;
	_ =	strace $0x80000048  }
0xb9: {  	_ =	swait.ge [sflag:s29], $0x1  }
0xba: {  	[sflag:s29] =	ssyncadd.s32 $0xFFFFFFFF  }
0xbb: {  	_ =	strace $0x90000048  }
0xbc: {  	_ =	sfence  }
0xbd: {  	s30 =	sld [smem:$0x0];
	_ =	sdelay $0x2  }
0xbe: {  	s31 =	sshll.u32 s1, $0xD;
	s1 =	sshrl.u32 s1, $0x2  }
0xbf: {  	s3 =	sand.u32 $0x4000, s31;
	s1 =	sadd.s32 s1, s30  }
0xc0: {  	s0 =	sor.u32 s3, s0;
	s1 =	sshll.u32 s1, $0x11  }
0xc1: {  	s0 =	sor.u32 s1, s0  }
0xc2: {  	s0 =	sadd.s32 $0x8F2B, s0  }
0xc3: {  	[sflag:s0] =	ssyncadd.remote.s32 $0x1  }
0xc4: {  	_ =	sfence.sel $0xFFFF  }
0xc5: {  	[dreg:$0x0] =	wrdreg $0xFFFFFFFF;
	(pc) =	sbr.abs _section_cstart, $3  }
0xc6: {  	[dreg:$0x1] =	wrdreg $0xFFFFFFFF  }
0xc7: {  	_ =	task.clear_ibuf [dreg:s10], $0x2FFFF;
	_ =	strace $0x9FFFFFFF  }
0xc8: {  	(tm) =	ssettm $0x7FFFFFFF  }
0xc9: {  	_ =	shalt  }
tec
execute0_lowered:
.L_overlay_start_1:
0x0: {  	(tag) =	ssettag $0x1  }
0x1: {  	s0 =	rddreg [dreg:$0x0]  }
0x2: {  	s4 =	rddreg [dreg:$0x1]  }
0x3: {  	s5 =	rddreg [dreg:$0x2]  }
0x4: {  	s9 =	rddreg [dreg:$0x3]  }
0x5: {  	s1 =	srdreg.scid;
	s3 =	rddreg [dreg:$0x4]  }
0x6: {  	s12 =	simm.s32 $0x900;
	[dreg:$0x6] =	wrdreg s0;
	s0 =	stileid.u32  }
0x7: {  	s13 =	simm.s32 $0xD00;
	s8 =	sand.u32 $0x1, s1;
	s2 =	sshll.u32 s0, $0x1  }
0x8: {  	s1 =	rddreg [dreg:$0x5];
	s6 =	sand.u32 $0x2, s2;
	s2 =	simm.s32 $0x0  }
0x9: {  	s14 =	simm.s32 $0x1100;
	s7 =	sshll.u32 s0, $0xB;
	[smem:$0x7FF] =	sst s2  }
0xa: {  	s6 =	sor.u32 s8, s6;
	_ =	strace $0x80000047;
	[dreg:$0x1c] =	wrdreg s12  }
0xb: {  	s10 =	sshll.u32 s6, $0x1;
	s6 =	sshrl.u32 s0, $0x1;
	[dreg:$0x1d] =	wrdreg s13  }
0xc: {  	[dreg:$0x1e] =	wrdreg s14;
	s4 =	sadd.s32 s4, s10;
	s5 =	sadd.s32 s5, s10  }
0xd: {  	s11 =	sshll.u32 s6, $0x4;
	[dreg:$0x7] =	wrdreg s4;
	s4 =	sadd.s32 s7, s3  }
0xe: {  	[dreg:$0x8] =	wrdreg s5;
	s9 =	sadd.s32 s9, s11;
	s11 =	simm.s32 $0x500  }
0xf: {  	s15 =	sadd.s32 $0x80, s4;
	[dreg:$0x1b] =	wrdreg s11  }
0x10: {  	s16 =	sadd.s32 $0x100, s4;
	[dreg:$0x9] =	wrdreg s15  }
0x11: {  	s17 =	sadd.s32 $0x180, s4;
	[dreg:$0xa] =	wrdreg s16  }
0x12: {  	s18 =	sadd.s32 $0x200, s4;
	[dreg:$0xb] =	wrdreg s17  }
0x13: {  	s19 =	sadd.s32 $0x280, s4;
	[dreg:$0xc] =	wrdreg s18  }
0x14: {  	s20 =	sadd.s32 $0x300, s4;
	[dreg:$0xd] =	wrdreg s19  }
0x15: {  	s21 =	sadd.s32 $0x380, s4;
	[dreg:$0xe] =	wrdreg s20  }
0x16: {  	s22 =	sadd.s32 $0x400, s4;
	[dreg:$0xf] =	wrdreg s21  }
0x17: {  	s23 =	sadd.s32 $0x480, s4;
	[dreg:$0x10] =	wrdreg s22  }
0x18: {  	s24 =	sadd.s32 $0x500, s4;
	[dreg:$0x11] =	wrdreg s23  }
0x19: {  	s25 =	sadd.s32 $0x580, s4;
	[dreg:$0x12] =	wrdreg s24  }
0x1a: {  	s26 =	sadd.s32 $0x600, s4;
	[dreg:$0x13] =	wrdreg s25  }
0x1b: {  	s28 =	sadd.s32 $0x680, s4;
	[dreg:$0x14] =	wrdreg s26  }
0x1c: {  	s29 =	sadd.s32 $0x700, s4;
	[dreg:$0x15] =	wrdreg s28  }
0x1d: {  	s30 =	sadd.s32 $0x780, s4;
	[dreg:$0x16] =	wrdreg s29  }
0x1e: {  	s31 =	sadd.s32 s10, s9;
	[dreg:$0x17] =	wrdreg s30  }
0x1f: {  	s9 =	simm.s32 $0x80;
	[dreg:$0x18] =	wrdreg s31  }
0x20: {  	s10 =	simm.s32 $0x100;
	[dreg:$0x19] =	wrdreg s9  }
0x21: {  	[dreg:$0x1a] =	wrdreg s10  }
0x22: {  	s25 =	rddreg [dreg:$0x7]  }
0x23: {  	s15 =	simm.s32 $0x1500;
	s29 =	rddreg [dreg:$0x8]  }
0x24: {  	s16 =	simm.s32 $0x1900;
	[dreg:$0x1f] =	wrdreg s15  }
0x25: {  	s17 =	simm.s32 $0x1D00;
	[smem:$0x7F4] =	sst s16  }
0x26: {  	s18 =	simm.s32 $0x2100;
	[smem:$0x7F5] =	sst s17  }
0x27: {  	s19 =	simm.s32 $0x2500;
	[smem:$0x7F6] =	sst s18  }
0x28: {  	s20 =	simm.s32 $0x2900;
	[smem:$0x7F7] =	sst s19  }
0x29: {  	s21 =	simm.s32 $0x2D00;
	[smem:$0x7F8] =	sst s20  }
0x2a: {  	s22 =	simm.s32 $0x3100;
	[smem:$0x7F9] =	sst s21  }
0x2b: {  	s23 =	simm.s32 $0x3500;
	[smem:$0x7FA] =	sst s22  }
0x2c: {  	s24 =	simm.s32 $0x3900;
	[smem:$0x7FB] =	sst s23  }
0x2d: {  	[smem:$0x7FC] =	sst s24  }
0x2e: {  	s28 =	simm.s32 $0x3D00;
	s26 =	rddreg [dreg:$0x19]  }
0x2f: {  	[tilespmem:s2], [sflag:$0x2] =	stream.linear.gather [hbm4b:s25+s2], $0x10, $0x38;
	[tilespmem:$0x4980] =	vst v63  }
0x30: {  	s5 =	simm.s32 $0x2;
	[smem:$0x7FD] =	sst s28  }
0x31: {  	[tilespmem:s26], [sflag:$0x2] =	stream.linear.gather [hbm4b:s29+s2], $0x10, $0x38;
	[tilespmem:$0x4980] =	vst v63  }
0x32: {  	_ =	swait.ge [sflag:s5], $0x10  }
0x33: {  	[sflag:s5] =	ssyncset.done $0x0  }
0x34: {  	[sflag:s5] =	ssyncadd.s32 $0xFFFFFFF0  }
0x35: {  	_ =	swait.ge [sflag:s5], $0x10  }
0x36: {  	[sflag:s5] =	ssyncset.done $0x0  }
0x37: {  	[sflag:s5] =	ssyncadd.s32 $0xFFFFFFF0  }
0x38: {  	v2 =	vld [tilespmem:$0x80]  }
0x39: {  	v0 =	vld [tilespmem:$0x0];
	_ =	sdelay $0x3  }
0x3a: {  	v1 =	vand.u32 $0x7, v2  }
0x3b: {  	s30 =	rddreg [dreg:$0x6];
	v0 =	vand.u32 $0xFFFFFF80, v0;
	v1 =	vshll.u32 v1, $0x7  }
0x3c: {  	v3 =	vadd.s32 s30, v0;
	(v2sf) =	vpush v1, $0x0  }
0x3d: {  	(v2sf) =	vpush v3, $0xE  }
0x3e: {  	(v2sf) =	vpush v3, $0xD  }
0x3f: {  	(v2sf) =	vpush v3, $0xB  }
0x40: {  	(v2sf) =	vpush v3, $0xC  }
0x41: {  	(v2sf) =	vpush v3, $0x9  }
0x42: {  	(v2sf) =	vpush v3, $0xA  }
0x43: {  	(v2sf) =	vpush v3, $0x8  }
0x44: {  	(v2sf) =	vpush v3, $0x6  }
0x45: {  	s6 =	sshll.u32 s6, $0xB;
	(v2sf) =	vpush v3, $0x7  }
0x46: {  	v2 =	vand.u32 $0xFFFFFFF8, v2;
	v0 =	vmov s6;
	(v2sf) =	vpush v3, $0x4  }
0x47: {  	v2 =	vadd.s32 v0, v2;
	(v2sf) =	vpush v3, $0x5  }
0x48: {  	v2 =	vshll.u32 v2, $0x8;
	(v2sf) =	vpush v3, $0x3  }
0x49: {  	(v2sf) =	vpush v2, $0x1  }
0x4a: {  	(v2sf) =	vpush v3, $0x2  }
0x4b: {  	(v2sf) =	vpush v3, $0x1;
	s9 =	spop (v2sf)  }
0x4c: {  	(v2sf) =	vpush v2, $0x0;
	s6 =	spop (v2sf)  }
0x4d: {  	(v2sf) =	vpush v3, $0x0;
	s10 =	spop (v2sf)  }
0x4e: {  	s12 =	spop (v2sf)  }
0x4f: {  	s11 =	spop (v2sf)  }
0x50: {  	(v2sf) =	vpush v2, $0x2;
	s14 =	spop (v2sf)  }
0x51: {  	s13 =	spop (v2sf)  }
0x52: {  	(v2sf) =	vpush v2, $0x3;
	s15 =	spop (v2sf)  }
0x53: {  	(v2sf) =	vpush v2, $0x4;
	s16 =	spop (v2sf)  }
0x54: {  	s17 =	spop (v2sf)  }
0x55: {  	(v2sf) =	vpush v2, $0x5;
	s18 =	spop (v2sf)  }
0x56: {  	s19 =	spop (v2sf)  }
0x57: {  	(v2sf) =	vpush v2, $0x6;
	s20 =	spop (v2sf)  }
0x58: {  	s21 =	spop (v2sf)  }
0x59: {  	(v2sf) =	vpush v2, $0x7;
	s22 =	spop (v2sf)  }
0x5a: {  	s23 =	spop (v2sf)  }
0x5b: {  	(v2sf) =	vpush v2, $0x8;
	s25 =	spop (v2sf)  }
0x5c: {  	s26 =	spop (v2sf)  }
0x5d: {  	s24 =	rddreg [dreg:$0x1a];
	(v2sf) =	vpush v2, $0x9;
	s25 =	sadd.s32 s25, s26  }
0x5e: {  	[tilespmem:s24], [sflag:$0x1] =	stream.linear.gather [hbm4b:s25+s2], $0x400, $0x38;
	[tilespmem:$0x4980] =	vst v63  }
0x5f: {  	s31 =	rddreg [dreg:$0x1b];
	s21 =	sadd.s32 s21, s23;
	(v2sf) =	vpush v2, $0xA;
	s28 =	spop (v2sf)  }
0x60: {  	[tilespmem:s31], [sflag:$0x1] =	stream.linear.gather [hbm4b:s21+s2], $0x400, $0x38;
	[tilespmem:$0x4980] =	vst v63  }
0x61: {  	s30 =	rddreg [dreg:$0x1d];
	(v2sf) =	vpush v2, $0xB;
	s29 =	spop (v2sf)  }
0x62: {  	s25 =	rddreg [dreg:$0x1c];
	s22 =	sadd.s32 s28, s22;
	s31 =	spop (v2sf)  }
0x63: {  	(v2sf) =	vpush v2, $0xC;
	[tilespmem:s25], [sflag:$0x1] =	stream.linear.gather [hbm4b:s22+s2], $0x400, $0x38;
	[tilespmem:$0x4980] =	vst v63  }
0x64: {  	s24 =	rddreg [dreg:$0x1f];
	s20 =	sadd.s32 s29, s20;
	s23 =	spop (v2sf)  }
0x65: {  	(v2sf) =	vpush v2, $0xD;
	[tilespmem:s30], [sflag:$0x1] =	stream.linear.gather [hbm4b:s20+s2], $0x400, $0x38;
	[tilespmem:$0x4980] =	vst v63  }
0x66: {  	s22 =	rddreg [dreg:$0x1e];
	s18 =	sadd.s32 s31, s18;
	s25 =	spop (v2sf)  }
0x67: {  	(v2sf) =	vpush v2, $0xE;
	[tilespmem:s22], [sflag:$0x1] =	stream.linear.gather [hbm4b:s18+s2], $0x400, $0x38;
	[tilespmem:$0x4980] =	vst v63  }
0x68: {  	s28 =	sld [smem:$0x7F4];
	s26 =	sadd.s32 s23, s19;
	s29 =	spop (v2sf)  }
0x69: {  	(v2sf) =	vpush v2, $0xF;
	[tilespmem:s24], [sflag:$0x1] =	stream.linear.gather [hbm4b:s26+s2], $0x400, $0x38;
	[tilespmem:$0x4980] =	vst v63  }
0x6a: {  	s30 =	sld [smem:$0x7F5];
	s16 =	sadd.s32 s25, s16;
	s31 =	spop (v2sf)  }
0x6b: {  	(v2sf) =	vpush v3, $0xF;
	[tilespmem:s28], [sflag:$0x1] =	stream.linear.gather [hbm4b:s16+s2], $0x400, $0x38;
	[tilespmem:$0x4980] =	vst v63  }
0x6c: {  	s23 =	sld [smem:$0x7F6];
	s22 =	sadd.s32 s29, s17;
	s24 =	spop (v2sf)  }
0x6d: {  	(v2sf) =	vpush v1, $0x1;
	[tilespmem:s30], [sflag:$0x1] =	stream.linear.gather [hbm4b:s22+s2], $0x400, $0x38;
	[tilespmem:$0x4980] =	vst v63  }
0x6e: {  	s25 =	sld [smem:$0x7F7];
	s15 =	sadd.s32 s31, s15;
	s26 =	spop (v2sf)  }
0x6f: {  	[tilespmem:s23], [sflag:$0x1] =	stream.linear.gather [hbm4b:s15+s2], $0x400, $0x38;
	[tilespmem:$0x4980] =	vst v63  }
0x70: {  	s28 =	sld [smem:$0x7F8];
	(v2sf) =	vpush v1, $0x2;
	s14 =	sadd.s32 s24, s14;
	s29 =	spop (v2sf)  }
0x71: {  	(v2sf) =	vpush v1, $0x3;
	[tilespmem:s25], [sflag:$0x1] =	stream.linear.gather [hbm4b:s14+s2], $0x400, $0x38;
	[tilespmem:$0x4980] =	vst v63  }
0x72: {  	s30 =	sld [smem:$0x7F9];
	s13 =	sadd.s32 s26, s13;
	(v2sf) =	vpush v1, $0x4;
	s31 =	spop (v2sf)  }
0x73: {  	(v2sf) =	vpush v1, $0x5;
	[tilespmem:s28], [sflag:$0x1] =	stream.linear.gather [hbm4b:s13+s2], $0x400, $0x38;
	[tilespmem:$0x4980] =	vst v63  }
0x74: {  	s12 =	sadd.s32 s29, s12;
	s15 =	sld [smem:$0x7FA];
	(v2sf) =	vpush v1, $0x6;
	s17 =	spop (v2sf)  }
0x75: {  	(v2sf) =	vpush v1, $0x7;
	[tilespmem:s30], [sflag:$0x1] =	stream.linear.gather [hbm4b:s12+s2], $0x400, $0x38;
	[tilespmem:$0x4980] =	vst v63  }
0x76: {  	s18 =	sld [smem:$0x7FB];
	s11 =	sadd.s32 s31, s11;
	(v2sf) =	vpush v1, $0x8;
	s19 =	spop (v2sf)  }
0x77: {  	(v2sf) =	vpush v1, $0x9;
	[tilespmem:s15], [sflag:$0x1] =	stream.linear.gather [hbm4b:s11+s2], $0x400, $0x38;
	[tilespmem:$0x4980] =	vst v63  }
0x78: {  	s20 =	sld [smem:$0x7FC];
	s10 =	sadd.s32 s17, s10;
	(v2sf) =	vpush v1, $0xA;
	s21 =	spop (v2sf)  }
0x79: {  	(v2sf) =	vpush v1, $0xB;
	[tilespmem:s18], [sflag:$0x1] =	stream.linear.gather [hbm4b:s10+s2], $0x400, $0x38;
	[tilespmem:$0x4980] =	vst v63  }
0x7a: {  	s22 =	sld [smem:$0x7FD];
	s6 =	sadd.s32 s19, s6;
	(v2sf) =	vpush v1, $0xC;
	s23 =	spop (v2sf)  }
0x7b: {  	(v2sf) =	vpush v1, $0xD;
	[tilespmem:s20], [sflag:$0x1] =	stream.linear.gather [hbm4b:s6+s2], $0x400, $0x38;
	[tilespmem:$0x4980] =	vst v63  }
0x7c: {  	s24 =	sadd.s32 s21, s23;
	s25 =	spop (v2sf);
	(v2sf) =	vpush v1, $0xE;
	s6 =	simm.s32 $0x1  }
0x7d: {  	(v2sf) =	vpush v1, $0xF;
	[tilespmem:s22], [sflag:$0x1] =	stream.linear.gather [hbm4b:s24+s2], $0x400, $0x38;
	[tilespmem:$0x4980] =	vst v63  }
0x7e: {  	_ =	swait.ge [sflag:s6], $0x400  }
0x7f: {  	s26 =	spop (v2sf)  }
0x80: {  	[sflag:s6] =	ssyncset.done $0x0;
	s28 =	spop (v2sf)  }
0x81: {  	[sflag:s6] =	ssyncadd.s32 $0xFFFFFC00;
	s21 =	spop (v2sf)  }
0x82: {  	_ =	swait.ge [sflag:s6], $0x400  }
0x83: {  	s20 =	spop (v2sf)  }
0x84: {  	[sflag:s6] =	ssyncset.done $0x0;
	s19 =	spop (v2sf)  }
0x85: {  	[sflag:s6] =	ssyncadd.s32 $0xFFFFFC00;
	s18 =	spop (v2sf)  }
0x86: {  	_ =	swait.ge [sflag:s6], $0x400  }
0x87: {  	s17 =	spop (v2sf)  }
0x88: {  	[sflag:s6] =	ssyncset.done $0x0;
	s16 =	spop (v2sf)  }
0x89: {  	[sflag:s6] =	ssyncadd.s32 $0xFFFFFC00;
	s15 =	spop (v2sf)  }
0x8a: {  	_ =	swait.ge [sflag:s6], $0x400  }
0x8b: {  	s14 =	spop (v2sf)  }
0x8c: {  	[sflag:s6] =	ssyncset.done $0x0;
	s13 =	spop (v2sf)  }
0x8d: {  	[sflag:s6] =	ssyncadd.s32 $0xFFFFFC00;
	s12 =	spop (v2sf)  }
0x8e: {  	_ =	swait.ge [sflag:s6], $0x400  }
0x8f: {  	s11 =	spop (v2sf);
	[sflag:s6] =	ssyncset.done $0x0  }
0x90: {  	s10 =	spop (v2sf);
	[sflag:s6] =	ssyncadd.s32 $0xFFFFFC00  }
0x91: {  	_ =	swait.ge [sflag:s6], $0x400  }
0x92: {  	[sflag:s6] =	ssyncset.done $0x0  }
0x93: {  	[sflag:s6] =	ssyncadd.s32 $0xFFFFFC00  }
0x94: {  	_ =	swait.ge [sflag:s6], $0x400  }
0x95: {  	[sflag:s6] =	ssyncset.done $0x0  }
0x96: {  	[sflag:s6] =	ssyncadd.s32 $0xFFFFFC00  }
0x97: {  	_ =	swait.ge [sflag:s6], $0x400  }
0x98: {  	[sflag:s6] =	ssyncset.done $0x0  }
0x99: {  	[sflag:s6] =	ssyncadd.s32 $0xFFFFFC00  }
0x9a: {  	_ =	swait.ge [sflag:s6], $0x400  }
0x9b: {  	[sflag:s6] =	ssyncset.done $0x0  }
0x9c: {  	[sflag:s6] =	ssyncadd.s32 $0xFFFFFC00  }
0x9d: {  	_ =	swait.ge [sflag:s6], $0x400  }
0x9e: {  	[sflag:s6] =	ssyncset.done $0x0  }
0x9f: {  	[sflag:s6] =	ssyncadd.s32 $0xFFFFFC00  }
0xa0: {  	_ =	swait.ge [sflag:s6], $0x400  }
0xa1: {  	[sflag:s6] =	ssyncset.done $0x0  }
0xa2: {  	[sflag:s6] =	ssyncadd.s32 $0xFFFFFC00  }
0xa3: {  	_ =	swait.ge [sflag:s6], $0x400  }
0xa4: {  	[sflag:s6] =	ssyncset.done $0x0  }
0xa5: {  	[sflag:s6] =	ssyncadd.s32 $0xFFFFFC00  }
0xa6: {  	_ =	swait.ge [sflag:s6], $0x400  }
0xa7: {  	[sflag:s6] =	ssyncset.done $0x0  }
0xa8: {  	[sflag:s6] =	ssyncadd.s32 $0xFFFFFC00  }
0xa9: {  	_ =	swait.ge [sflag:s6], $0x400  }
0xaa: {  	[sflag:s6] =	ssyncset.done $0x0  }
0xab: {  	[sflag:s6] =	ssyncadd.s32 $0xFFFFFC00  }
0xac: {  	_ =	swait.ge [sflag:s6], $0x400  }
0xad: {  	[sflag:s6] =	ssyncset.done $0x0  }
0xae: {  	[sflag:s6] =	ssyncadd.s32 $0xFFFFFC00  }
0xaf: {  	_ =	swait.ge [sflag:s6], $0x400  }
0xb0: {  	[sflag:s6] =	ssyncset.done $0x0  }
0xb1: {  	s9 =	sadd.s32 $0x100, s9;
	[sflag:s6] =	ssyncadd.s32 $0xFFFFFC00  }
0xb2: {  	[spmem:s4] =	stream.linear.scatter [tilespmem:s9], [sflag:$0x2], $0x80, $0x38;
	[tilespmem:$0x4980] =	vst v63  }
0xb3: {  	s30 =	sadd.s32 $0x500, s25;
	s29 =	rddreg [dreg:$0x9]  }
0xb4: {  	[spmem:s29] =	stream.linear.scatter [tilespmem:s30], [sflag:$0x2], $0x80, $0x38;
	[tilespmem:$0x4980] =	vst v63  }
0xb5: {  	s25 =	sadd.s32 $0x900, s26;
	s31 =	rddreg [dreg:$0xa]  }
0xb6: {  	[spmem:s31] =	stream.linear.scatter [tilespmem:s25], [sflag:$0x2], $0x80, $0x38;
	[tilespmem:$0x4980] =	vst v63  }
0xb7: {  	s28 =	sadd.s32 $0xD00, s28;
	s26 =	rddreg [dreg:$0xb]  }
0xb8: {  	[spmem:s26] =	stream.linear.scatter [tilespmem:s28], [sflag:$0x2], $0x80, $0x38;
	[tilespmem:$0x4980] =	vst v63  }
0xb9: {  	s29 =	rddreg [dreg:$0xc];
	s30 =	sadd.s32 $0x1100, s21  }
0xba: {  	[spmem:s29] =	stream.linear.scatter [tilespmem:s30], [sflag:$0x2], $0x80, $0x38;
	[tilespmem:$0x4980] =	vst v63  }
0xbb: {  	s23 =	sadd.s32 $0x1500, s20;
	s31 =	rddreg [dreg:$0xd]  }
0xbc: {  	[spmem:s31] =	stream.linear.scatter [tilespmem:s23], [sflag:$0x2], $0x80, $0x38;
	[tilespmem:$0x4980] =	vst v63  }
0xbd: {  	s24 =	rddreg [dreg:$0xe];
	s25 =	sadd.s32 $0x1900, s19  }
0xbe: {  	[spmem:s24] =	stream.linear.scatter [tilespmem:s25], [sflag:$0x2], $0x80, $0x38;
	[tilespmem:$0x4980] =	vst v63  }
0xbf: {  	s26 =	rddreg [dreg:$0xf];
	s28 =	sadd.s32 $0x1D00, s18  }
0xc0: {  	[spmem:s26] =	stream.linear.scatter [tilespmem:s28], [sflag:$0x2], $0x80, $0x38;
	[tilespmem:$0x4980] =	vst v63  }
0xc1: {  	s29 =	rddreg [dreg:$0x10];
	s30 =	sadd.s32 $0x2100, s17  }
0xc2: {  	[spmem:s29] =	stream.linear.scatter [tilespmem:s30], [sflag:$0x2], $0x80, $0x38;
	[tilespmem:$0x4980] =	vst v63  }
0xc3: {  	s16 =	sadd.s32 $0x2500, s16;
	s31 =	rddreg [dreg:$0x11]  }
0xc4: {  	[spmem:s31] =	stream.linear.scatter [tilespmem:s16], [sflag:$0x2], $0x80, $0x38;
	[tilespmem:$0x4980] =	vst v63  }
0xc5: {  	s19 =	sadd.s32 $0x2900, s15;
	s18 =	rddreg [dreg:$0x12]  }
0xc6: {  	[spmem:s18] =	stream.linear.scatter [tilespmem:s19], [sflag:$0x2], $0x80, $0x38;
	[tilespmem:$0x4980] =	vst v63  }
0xc7: {  	s20 =	rddreg [dreg:$0x13];
	s21 =	sadd.s32 $0x2D00, s14  }
0xc8: {  	[spmem:s20] =	stream.linear.scatter [tilespmem:s21], [sflag:$0x2], $0x80, $0x38;
	[tilespmem:$0x4980] =	vst v63  }
0xc9: {  	s22 =	rddreg [dreg:$0x14];
	s23 =	sadd.s32 $0x3100, s13  }
0xca: {  	[spmem:s22] =	stream.linear.scatter [tilespmem:s23], [sflag:$0x2], $0x80, $0x38;
	[tilespmem:$0x4980] =	vst v63  }
0xcb: {  	s24 =	rddreg [dreg:$0x15];
	s25 =	sadd.s32 $0x3500, s12  }
0xcc: {  	[spmem:s24] =	stream.linear.scatter [tilespmem:s25], [sflag:$0x2], $0x80, $0x38;
	[tilespmem:$0x4980] =	vst v63  }
0xcd: {  	s26 =	rddreg [dreg:$0x16];
	s28 =	sadd.s32 $0x3900, s11  }
0xce: {  	[spmem:s26] =	stream.linear.scatter [tilespmem:s28], [sflag:$0x2], $0x80, $0x38;
	[tilespmem:$0x4980] =	vst v63  }
0xcf: {  	s29 =	rddreg [dreg:$0x17];
	s30 =	sadd.s32 $0x3D00, s10  }
0xd0: {  	[spmem:s29] =	stream.linear.scatter [tilespmem:s30], [sflag:$0x2], $0x80, $0x38;
	[tilespmem:$0x4980] =	vst v63  }
0xd1: {  	_ =	swait.ge [sflag:s5], $0x80  }
0xd2: {  	[sflag:s5] =	ssyncset.done $0x0  }
0xd3: {  	[sflag:s5] =	ssyncadd.s32 $0xFFFFFF80  }
0xd4: {  	_ =	swait.ge [sflag:s5], $0x80  }
0xd5: {  	[sflag:s5] =	ssyncset.done $0x0  }
0xd6: {  	[sflag:s5] =	ssyncadd.s32 $0xFFFFFF80  }
0xd7: {  	_ =	swait.ge [sflag:s5], $0x80  }
0xd8: {  	[sflag:s5] =	ssyncset.done $0x0  }
0xd9: {  	[sflag:s5] =	ssyncadd.s32 $0xFFFFFF80  }
0xda: {  	_ =	swait.ge [sflag:s5], $0x80  }
0xdb: {  	[sflag:s5] =	ssyncset.done $0x0  }
0xdc: {  	[sflag:s5] =	ssyncadd.s32 $0xFFFFFF80  }
0xdd: {  	_ =	swait.ge [sflag:s5], $0x80  }
0xde: {  	[sflag:s5] =	ssyncset.done $0x0  }
0xdf: {  	[sflag:s5] =	ssyncadd.s32 $0xFFFFFF80  }
0xe0: {  	_ =	swait.ge [sflag:s5], $0x80  }
0xe1: {  	[sflag:s5] =	ssyncset.done $0x0  }
0xe2: {  	[sflag:s5] =	ssyncadd.s32 $0xFFFFFF80  }
0xe3: {  	_ =	swait.ge [sflag:s5], $0x80  }
0xe4: {  	[sflag:s5] =	ssyncset.done $0x0  }
0xe5: {  	[sflag:s5] =	ssyncadd.s32 $0xFFFFFF80  }
0xe6: {  	_ =	swait.ge [sflag:s5], $0x80  }
0xe7: {  	[sflag:s5] =	ssyncset.done $0x0  }
0xe8: {  	[sflag:s5] =	ssyncadd.s32 $0xFFFFFF80  }
0xe9: {  	_ =	swait.ge [sflag:s5], $0x80  }
0xea: {  	[sflag:s5] =	ssyncset.done $0x0  }
0xeb: {  	[sflag:s5] =	ssyncadd.s32 $0xFFFFFF80  }
0xec: {  	_ =	swait.ge [sflag:s5], $0x80  }
0xed: {  	[sflag:s5] =	ssyncset.done $0x0  }
0xee: {  	[sflag:s5] =	ssyncadd.s32 $0xFFFFFF80  }
0xef: {  	_ =	swait.ge [sflag:s5], $0x80  }
0xf0: {  	[sflag:s5] =	ssyncset.done $0x0  }
0xf1: {  	[sflag:s5] =	ssyncadd.s32 $0xFFFFFF80  }
0xf2: {  	_ =	swait.ge [sflag:s5], $0x80  }
0xf3: {  	[sflag:s5] =	ssyncset.done $0x0  }
0xf4: {  	[sflag:s5] =	ssyncadd.s32 $0xFFFFFF80  }
0xf5: {  	_ =	swait.ge [sflag:s5], $0x80  }
0xf6: {  	[sflag:s5] =	ssyncset.done $0x0  }
0xf7: {  	[sflag:s5] =	ssyncadd.s32 $0xFFFFFF80  }
0xf8: {  	s8 =	ssub.s32 $0x2, s8;
	_ =	swait.ge [sflag:s5], $0x80  }
0xf9: {  	s31 =	sshrl.u32 s8, $0x1;
	[sflag:s5] =	ssyncset.done $0x0  }
0xfa: {  	s8 =	ssub.s32 s8, s31;
	[sflag:s5] =	ssyncadd.s32 $0xFFFFFF80  }
0xfb: {  	s9 =	smax.u32 s8, $0x1;
	_ =	swait.ge [sflag:s5], $0x80  }
0xfc: {  	p0 =	sne.s32 s9, $0x1;
	[sflag:s5] =	ssyncset.done $0x0  }
.Ltmp0:
0xfd: {  	[sflag:s5] =	ssyncadd.s32 $0xFFFFFF80;
	(pc) =	sbr.rel @!p0 .LBB2_2-.Ltmp0, $4  }
0xfe: {  	v1 =	vlaneseq.u32;
	_ =	swait.ge [sflag:s5], $0x80  }
0xff: {  	v1 =	vmul.u32 $0x80, v1;
	[sflag:s5] =	ssyncset.done $0x0  }
0x100: {  	[sflag:s5] =	ssyncadd.s32 $0xFFFFFF80  }
0x101: {  	vm0 =	vmmov $0xffff;
	v1 =	vor.u32 s7, v1;
	s7 =	simm.s32 $0x3;
	s8 =	simm.s32 $0x4100;
	s9 =	sadd.s32 $0xFFFFFFFF, s9;
	v2 =	vld [tilespmem:$0x0]  }
.LBB2_1:
0x102: {  	_ =	sdelay $0x3  }
0x103: {  	v2 =	vand.u32 $0x7F, v2  }
0x104: {  	v2 =	vor.u32 v2, v1;
	_ =	sdelay $0x4  }
0x105: {  	[tilespmem:s8], [sflag:$0x1] =	stream.indirect_vreg.gather [spmem:s3], $0x1, v2, vm0, $0xb8;
	[tilespmem:$0x4980] =	vst v63  }
0x106: {  	_ =	swait.ge [sflag:s6], $0x10  }
0x107: {  	[sflag:s6] =	ssyncset.done $0x0  }
0x108: {  	s10 =	rddreg [dreg:$0x18];
	[sflag:s6] =	ssyncadd.s32 $0xFFFFFFF0  }
0x109: {  	[hbm4b:s10+s2] =	stream.linear.scatter [tilespmem:s8], [sflag:$0x3], $0x10, $0x38;
	[tilespmem:$0x4980] =	vst v63  }
0x10a: {  	_ =	swait.ge [sflag:s7], $0x10  }
0x10b: {  	s29 =	rddreg [dreg:$0x7];
	[sflag:s7] =	ssyncset.done $0x0  }
0x10c: {  	s11 =	rddreg [dreg:$0x19];
	[sflag:s7] =	ssyncadd.s32 $0xFFFFFFF0  }
0x10d: {  	[tilespmem:s2], [sflag:$0x2] =	stream.linear.gather [hbm4b:s29+s2], $0x10, $0x38;
	[tilespmem:$0x4980] =	vst v63  }
0x10e: {  	s12 =	rddreg [dreg:$0x8]  }
0x10f: {  	[tilespmem:s11], [sflag:$0x2] =	stream.linear.gather [hbm4b:s12+s2], $0x10, $0x38;
	[tilespmem:$0x4980] =	vst v63  }
0x110: {  	_ =	swait.ge [sflag:s5], $0x10  }
0x111: {  	[sflag:s5] =	ssyncset.done $0x0  }
0x112: {  	[sflag:s5] =	ssyncadd.s32 $0xFFFFFFF0  }
0x113: {  	_ =	swait.ge [sflag:s5], $0x10  }
0x114: {  	[sflag:s5] =	ssyncset.done $0x0  }
0x115: {  	[sflag:s5] =	ssyncadd.s32 $0xFFFFFFF0  }
0x116: {  	v2 =	vld [tilespmem:$0x80]  }
0x117: {  	v3 =	vld [tilespmem:$0x0];
	_ =	sdelay $0x3  }
0x118: {  	v4 =	vand.u32 $0xFFFFFFF8, v2;
	v2 =	vand.u32 $0x7, v2  }
0x119: {  	s30 =	rddreg [dreg:$0x6];
	v3 =	vand.u32 $0xFFFFFF80, v3;
	v2 =	vshll.u32 v2, $0x7  }
0x11a: {  	v3 =	vadd.s32 s30, v3;
	(v2sf) =	vpush v2, $0x0  }
0x11b: {  	(v2sf) =	vpush v3, $0xE  }
0x11c: {  	(v2sf) =	vpush v3, $0xD  }
0x11d: {  	(v2sf) =	vpush v3, $0xB  }
0x11e: {  	(v2sf) =	vpush v3, $0xC  }
0x11f: {  	(v2sf) =	vpush v3, $0x9  }
0x120: {  	(v2sf) =	vpush v3, $0xA  }
0x121: {  	(v2sf) =	vpush v3, $0x8  }
0x122: {  	(v2sf) =	vpush v3, $0x6  }
0x123: {  	(v2sf) =	vpush v3, $0x7  }
0x124: {  	(v2sf) =	vpush v3, $0x4  }
0x125: {  	v4 =	vadd.s32 v0, v4;
	(v2sf) =	vpush v3, $0x5  }
0x126: {  	v4 =	vshll.u32 v4, $0x8;
	(v2sf) =	vpush v3, $0x3  }
0x127: {  	(v2sf) =	vpush v4, $0x1  }
0x128: {  	(v2sf) =	vpush v3, $0x2  }
0x129: {  	(v2sf) =	vpush v3, $0x1;
	s10 =	spop (v2sf)  }
0x12a: {  	(v2sf) =	vpush v4, $0x0;
	s11 =	spop (v2sf)  }
0x12b: {  	(v2sf) =	vpush v3, $0x0;
	s12 =	spop (v2sf)  }
0x12c: {  	(v2sf) =	vpush v4, $0x2;
	s14 =	spop (v2sf)  }
0x12d: {  	s13 =	spop (v2sf)  }
0x12e: {  	(v2sf) =	vpush v4, $0x3;
	s16 =	spop (v2sf)  }
0x12f: {  	s15 =	spop (v2sf)  }
0x130: {  	(v2sf) =	vpush v4, $0x4;
	s17 =	spop (v2sf)  }
0x131: {  	s19 =	spop (v2sf)  }
0x132: {  	(v2sf) =	vpush v4, $0x5;
	s18 =	spop (v2sf)  }
0x133: {  	s20 =	spop (v2sf)  }
0x134: {  	s22 =	spop (v2sf);
	(v2sf) =	vpush v4, $0x6  }
0x135: {  	s23 =	spop (v2sf)  }
0x136: {  	s24 =	spop (v2sf);
	(v2sf) =	vpush v4, $0x7  }
0x137: {  	s25 =	spop (v2sf)  }
0x138: {  	s28 =	spop (v2sf);
	(v2sf) =	vpush v4, $0x8  }
0x139: {  	s21 =	rddreg [dreg:$0x1a];
	s31 =	spop (v2sf)  }
0x13a: {  	s26 =	rddreg [dreg:$0x1b];
	s30 =	spop (v2sf);
	(v2sf) =	vpush v4, $0x9  }
0x13b: {  	s24 =	sadd.s32 s24, s28;
	s28 =	sadd.s32 s31, s30;
	s31 =	spop (v2sf)  }
0x13c: {  	(v2sf) =	vpush v4, $0xA;
	[tilespmem:s21], [sflag:$0x1] =	stream.linear.gather [hbm4b:s28+s2], $0x400, $0x38;
	[tilespmem:$0x4980] =	vst v63  }
0x13d: {  	s29 =	rddreg [dreg:$0x1c];
	s30 =	spop (v2sf)  }
0x13e: {  	(v2sf) =	vpush v4, $0xB;
	[tilespmem:s26], [sflag:$0x1] =	stream.linear.gather [hbm4b:s24+s2], $0x400, $0x38;
	[tilespmem:$0x4980] =	vst v63  }
0x13f: {  	s21 =	sadd.s32 s31, s25;
	s25 =	rddreg [dreg:$0x1d];
	s31 =	spop (v2sf)  }
0x140: {  	(v2sf) =	vpush v4, $0xC;
	[tilespmem:s29], [sflag:$0x1] =	stream.linear.gather [hbm4b:s21+s2], $0x400, $0x38;
	[tilespmem:$0x4980] =	vst v63  }
0x141: {  	s28 =	rddreg [dreg:$0x1f];
	s23 =	sadd.s32 s30, s23;
	s29 =	spop (v2sf)  }
0x142: {  	(v2sf) =	vpush v4, $0xD;
	[tilespmem:s25], [sflag:$0x1] =	stream.linear.gather [hbm4b:s23+s2], $0x400, $0x38;
	[tilespmem:$0x4980] =	vst v63  }
0x143: {  	s24 =	rddreg [dreg:$0x1e];
	s20 =	sadd.s32 s31, s20;
	s31 =	spop (v2sf)  }
0x144: {  	(v2sf) =	vpush v4, $0xE;
	[tilespmem:s24], [sflag:$0x1] =	stream.linear.gather [hbm4b:s20+s2], $0x400, $0x38;
	[tilespmem:$0x4980] =	vst v63  }
0x145: {  	s30 =	sld [smem:$0x7F4];
	s22 =	sadd.s32 s29, s22;
	s26 =	spop (v2sf)  }
0x146: {  	(v2sf) =	vpush v4, $0xF;
	[tilespmem:s28], [sflag:$0x1] =	stream.linear.gather [hbm4b:s22+s2], $0x400, $0x38;
	[tilespmem:$0x4980] =	vst v63  }
0x147: {  	s25 =	sld [smem:$0x7F5];
	s19 =	sadd.s32 s31, s19;
	s29 =	spop (v2sf)  }
0x148: {  	(v2sf) =	vpush v3, $0xF;
	[tilespmem:s30], [sflag:$0x1] =	stream.linear.gather [hbm4b:s19+s2], $0x400, $0x38;
	[tilespmem:$0x4980] =	vst v63  }
0x149: {  	s18 =	sadd.s32 s26, s18;
	s28 =	sld [smem:$0x7F6];
	s31 =	spop (v2sf)  }
0x14a: {  	(v2sf) =	vpush v2, $0x1;
	[tilespmem:s25], [sflag:$0x1] =	stream.linear.gather [hbm4b:s18+s2], $0x400, $0x38;
	[tilespmem:$0x4980] =	vst v63  }
0x14b: {  	s17 =	sadd.s32 s29, s17;
	s30 =	sld [smem:$0x7F7];
	s24 =	spop (v2sf)  }
0x14c: {  	[tilespmem:s28], [sflag:$0x1] =	stream.linear.gather [hbm4b:s17+s2], $0x400, $0x38;
	[tilespmem:$0x4980] =	vst v63  }
0x14d: {  	s23 =	sld [smem:$0x7F8];
	s16 =	sadd.s32 s31, s16;
	(v2sf) =	vpush v2, $0x2;
	s26 =	spop (v2sf)  }
0x14e: {  	(v2sf) =	vpush v2, $0x3;
	[tilespmem:s30], [sflag:$0x1] =	stream.linear.gather [hbm4b:s16+s2], $0x400, $0x38;
	[tilespmem:$0x4980] =	vst v63  }
0x14f: {  	s25 =	sld [smem:$0x7F9];
	s15 =	sadd.s32 s24, s15;
	(v2sf) =	vpush v2, $0x4;
	s29 =	spop (v2sf)  }
0x150: {  	(v2sf) =	vpush v2, $0x5;
	[tilespmem:s23], [sflag:$0x1] =	stream.linear.gather [hbm4b:s15+s2], $0x400, $0x38;
	[tilespmem:$0x4980] =	vst v63  }
0x151: {  	s14 =	sadd.s32 s26, s14;
	s28 =	sld [smem:$0x7FA];
	(v2sf) =	vpush v2, $0x6;
	s31 =	spop (v2sf)  }
0x152: {  	(v2sf) =	vpush v2, $0x7;
	[tilespmem:s25], [sflag:$0x1] =	stream.linear.gather [hbm4b:s14+s2], $0x400, $0x38;
	[tilespmem:$0x4980] =	vst v63  }
0x153: {  	s13 =	sadd.s32 s29, s13;
	s30 =	sld [smem:$0x7FB];
	(v2sf) =	vpush v2, $0x8;
	s20 =	spop (v2sf)  }
0x154: {  	(v2sf) =	vpush v2, $0x9;
	[tilespmem:s28], [sflag:$0x1] =	stream.linear.gather [hbm4b:s13+s2], $0x400, $0x38;
	[tilespmem:$0x4980] =	vst v63  }
0x155: {  	s21 =	sld [smem:$0x7FC];
	s12 =	sadd.s32 s31, s12;
	(v2sf) =	vpush v2, $0xA;
	s22 =	spop (v2sf)  }
0x156: {  	(v2sf) =	vpush v2, $0xB;
	[tilespmem:s30], [sflag:$0x1] =	stream.linear.gather [hbm4b:s12+s2], $0x400, $0x38;
	[tilespmem:$0x4980] =	vst v63  }
0x157: {  	s19 =	sld [smem:$0x7FD];
	s11 =	sadd.s32 s20, s11;
	(v2sf) =	vpush v2, $0xC;
	s23 =	spop (v2sf)  }
0x158: {  	(v2sf) =	vpush v2, $0xD;
	[tilespmem:s21], [sflag:$0x1] =	stream.linear.gather [hbm4b:s11+s2], $0x400, $0x38;
	[tilespmem:$0x4980] =	vst v63  }
0x159: {  	(v2sf) =	vpush v2, $0xE;
	s24 =	sadd.s32 s22, s23;
	s25 =	spop (v2sf)  }
0x15a: {  	(v2sf) =	vpush v2, $0xF;
	[tilespmem:s19], [sflag:$0x1] =	stream.linear.gather [hbm4b:s24+s2], $0x400, $0x38;
	[tilespmem:$0x4980] =	vst v63  }
0x15b: {  	_ =	swait.ge [sflag:s6], $0x400  }
0x15c: {  	s26 =	spop (v2sf)  }
0x15d: {  	[sflag:s6] =	ssyncset.done $0x0;
	s23 =	spop (v2sf)  }
0x15e: {  	[sflag:s6] =	ssyncadd.s32 $0xFFFFFC00;
	s22 =	spop (v2sf)  }
0x15f: {  	_ =	swait.ge [sflag:s6], $0x400  }
0x160: {  	s21 =	spop (v2sf)  }
0x161: {  	[sflag:s6] =	ssyncset.done $0x0;
	s20 =	spop (v2sf)  }
0x162: {  	[sflag:s6] =	ssyncadd.s32 $0xFFFFFC00;
	s19 =	spop (v2sf)  }
0x163: {  	_ =	swait.ge [sflag:s6], $0x400  }
0x164: {  	s18 =	spop (v2sf)  }
0x165: {  	[sflag:s6] =	ssyncset.done $0x0;
	s17 =	spop (v2sf)  }
0x166: {  	[sflag:s6] =	ssyncadd.s32 $0xFFFFFC00;
	s16 =	spop (v2sf)  }
0x167: {  	_ =	swait.ge [sflag:s6], $0x400  }
0x168: {  	s15 =	spop (v2sf)  }
0x169: {  	[sflag:s6] =	ssyncset.done $0x0;
	s14 =	spop (v2sf)  }
0x16a: {  	[sflag:s6] =	ssyncadd.s32 $0xFFFFFC00;
	s13 =	spop (v2sf)  }
0x16b: {  	_ =	swait.ge [sflag:s6], $0x400  }
0x16c: {  	s12 =	spop (v2sf);
	[sflag:s6] =	ssyncset.done $0x0  }
0x16d: {  	s11 =	spop (v2sf);
	[sflag:s6] =	ssyncadd.s32 $0xFFFFFC00  }
0x16e: {  	_ =	swait.ge [sflag:s6], $0x400  }
0x16f: {  	[sflag:s6] =	ssyncset.done $0x0  }
0x170: {  	[sflag:s6] =	ssyncadd.s32 $0xFFFFFC00  }
0x171: {  	_ =	swait.ge [sflag:s6], $0x400  }
0x172: {  	[sflag:s6] =	ssyncset.done $0x0  }
0x173: {  	[sflag:s6] =	ssyncadd.s32 $0xFFFFFC00  }
0x174: {  	_ =	swait.ge [sflag:s6], $0x400  }
0x175: {  	[sflag:s6] =	ssyncset.done $0x0  }
0x176: {  	[sflag:s6] =	ssyncadd.s32 $0xFFFFFC00  }
0x177: {  	_ =	swait.ge [sflag:s6], $0x400  }
0x178: {  	[sflag:s6] =	ssyncset.done $0x0  }
0x179: {  	[sflag:s6] =	ssyncadd.s32 $0xFFFFFC00  }
0x17a: {  	_ =	swait.ge [sflag:s6], $0x400  }
0x17b: {  	[sflag:s6] =	ssyncset.done $0x0  }
0x17c: {  	[sflag:s6] =	ssyncadd.s32 $0xFFFFFC00  }
0x17d: {  	_ =	swait.ge [sflag:s6], $0x400  }
0x17e: {  	[sflag:s6] =	ssyncset.done $0x0  }
0x17f: {  	[sflag:s6] =	ssyncadd.s32 $0xFFFFFC00  }
0x180: {  	_ =	swait.ge [sflag:s6], $0x400  }
0x181: {  	[sflag:s6] =	ssyncset.done $0x0  }
0x182: {  	[sflag:s6] =	ssyncadd.s32 $0xFFFFFC00  }
0x183: {  	_ =	swait.ge [sflag:s6], $0x400  }
0x184: {  	[sflag:s6] =	ssyncset.done $0x0  }
0x185: {  	[sflag:s6] =	ssyncadd.s32 $0xFFFFFC00  }
0x186: {  	_ =	swait.ge [sflag:s6], $0x400  }
0x187: {  	[sflag:s6] =	ssyncset.done $0x0  }
0x188: {  	[sflag:s6] =	ssyncadd.s32 $0xFFFFFC00  }
0x189: {  	_ =	swait.ge [sflag:s6], $0x400  }
0x18a: {  	[sflag:s6] =	ssyncset.done $0x0  }
0x18b: {  	[sflag:s6] =	ssyncadd.s32 $0xFFFFFC00  }
0x18c: {  	_ =	swait.ge [sflag:s6], $0x400  }
0x18d: {  	[sflag:s6] =	ssyncset.done $0x0  }
0x18e: {  	s10 =	sadd.s32 $0x100, s10;
	[sflag:s6] =	ssyncadd.s32 $0xFFFFFC00  }
0x18f: {  	[spmem:s4] =	stream.linear.scatter [tilespmem:s10], [sflag:$0x2], $0x80, $0x38;
	[tilespmem:$0x4980] =	vst v63  }
0x190: {  	s24 =	sadd.s32 $0x500, s25;
	s29 =	rddreg [dreg:$0x9]  }
0x191: {  	[spmem:s29] =	stream.linear.scatter [tilespmem:s24], [sflag:$0x2], $0x80, $0x38;
	[tilespmem:$0x4980] =	vst v63  }
0x192: {  	s31 =	sadd.s32 $0x900, s26;
	s30 =	rddreg [dreg:$0xa]  }
0x193: {  	[spmem:s30] =	stream.linear.scatter [tilespmem:s31], [sflag:$0x2], $0x80, $0x38;
	[tilespmem:$0x4980] =	vst v63  }
0x194: {  	s23 =	sadd.s32 $0xD00, s23;
	s25 =	rddreg [dreg:$0xb]  }
0x195: {  	[spmem:s25] =	stream.linear.scatter [tilespmem:s23], [sflag:$0x2], $0x80, $0x38;
	[tilespmem:$0x4980] =	vst v63  }
0x196: {  	s29 =	rddreg [dreg:$0xc];
	s30 =	sadd.s32 $0x1100, s22  }
0x197: {  	[spmem:s29] =	stream.linear.scatter [tilespmem:s30], [sflag:$0x2], $0x80, $0x38;
	[tilespmem:$0x4980] =	vst v63  }
0x198: {  	s21 =	sadd.s32 $0x1500, s21;
	s31 =	rddreg [dreg:$0xd]  }
0x199: {  	[spmem:s31] =	stream.linear.scatter [tilespmem:s21], [sflag:$0x2], $0x80, $0x38;
	[tilespmem:$0x4980] =	vst v63  }
0x19a: {  	s26 =	sadd.s32 $0x1900, s20;
	s25 =	rddreg [dreg:$0xe]  }
0x19b: {  	[spmem:s25] =	stream.linear.scatter [tilespmem:s26], [sflag:$0x2], $0x80, $0x38;
	[tilespmem:$0x4980] =	vst v63  }
0x19c: {  	s19 =	sadd.s32 $0x1D00, s19;
	s28 =	rddreg [dreg:$0xf]  }
0x19d: {  	[spmem:s28] =	stream.linear.scatter [tilespmem:s19], [sflag:$0x2], $0x80, $0x38;
	[tilespmem:$0x4980] =	vst v63  }
0x19e: {  	s29 =	rddreg [dreg:$0x10];
	s30 =	sadd.s32 $0x2100, s18  }
0x19f: {  	[spmem:s29] =	stream.linear.scatter [tilespmem:s30], [sflag:$0x2], $0x80, $0x38;
	[tilespmem:$0x4980] =	vst v63  }
0x1a0: {  	s17 =	sadd.s32 $0x2500, s17;
	s31 =	rddreg [dreg:$0x11]  }
0x1a1: {  	[spmem:s31] =	stream.linear.scatter [tilespmem:s17], [sflag:$0x2], $0x80, $0x38;
	[tilespmem:$0x4980] =	vst v63  }
0x1a2: {  	s22 =	rddreg [dreg:$0x12];
	s23 =	sadd.s32 $0x2900, s16  }
0x1a3: {  	[spmem:s22] =	stream.linear.scatter [tilespmem:s23], [sflag:$0x2], $0x80, $0x38;
	[tilespmem:$0x4980] =	vst v63  }
0x1a4: {  	s15 =	sadd.s32 $0x2D00, s15;
	s24 =	rddreg [dreg:$0x13]  }
0x1a5: {  	[spmem:s24] =	stream.linear.scatter [tilespmem:s15], [sflag:$0x2], $0x80, $0x38;
	[tilespmem:$0x4980] =	vst v63  }
0x1a6: {  	s25 =	rddreg [dreg:$0x14];
	s26 =	sadd.s32 $0x3100, s14  }
0x1a7: {  	[spmem:s25] =	stream.linear.scatter [tilespmem:s26], [sflag:$0x2], $0x80, $0x38;
	[tilespmem:$0x4980] =	vst v63  }
0x1a8: {  	s13 =	sadd.s32 $0x3500, s13;
	s28 =	rddreg [dreg:$0x15]  }
0x1a9: {  	[spmem:s28] =	stream.linear.scatter [tilespmem:s13], [sflag:$0x2], $0x80, $0x38;
	[tilespmem:$0x4980] =	vst v63  }
0x1aa: {  	s29 =	rddreg [dreg:$0x16];
	s30 =	sadd.s32 $0x3900, s12  }
0x1ab: {  	[spmem:s29] =	stream.linear.scatter [tilespmem:s30], [sflag:$0x2], $0x80, $0x38;
	[tilespmem:$0x4980] =	vst v63  }
0x1ac: {  	s11 =	sadd.s32 $0x3D00, s11;
	s31 =	rddreg [dreg:$0x17]  }
0x1ad: {  	[spmem:s31] =	stream.linear.scatter [tilespmem:s11], [sflag:$0x2], $0x80, $0x38;
	[tilespmem:$0x4980] =	vst v63  }
0x1ae: {  	_ =	swait.ge [sflag:s5], $0x80  }
0x1af: {  	[sflag:s5] =	ssyncset.done $0x0  }
0x1b0: {  	[sflag:s5] =	ssyncadd.s32 $0xFFFFFF80  }
0x1b1: {  	_ =	swait.ge [sflag:s5], $0x80  }
0x1b2: {  	[sflag:s5] =	ssyncset.done $0x0  }
0x1b3: {  	[sflag:s5] =	ssyncadd.s32 $0xFFFFFF80  }
0x1b4: {  	_ =	swait.ge [sflag:s5], $0x80  }
0x1b5: {  	[sflag:s5] =	ssyncset.done $0x0  }
0x1b6: {  	[sflag:s5] =	ssyncadd.s32 $0xFFFFFF80  }
0x1b7: {  	_ =	swait.ge [sflag:s5], $0x80  }
0x1b8: {  	[sflag:s5] =	ssyncset.done $0x0  }
0x1b9: {  	[sflag:s5] =	ssyncadd.s32 $0xFFFFFF80  }
0x1ba: {  	_ =	swait.ge [sflag:s5], $0x80  }
0x1bb: {  	[sflag:s5] =	ssyncset.done $0x0  }
0x1bc: {  	[sflag:s5] =	ssyncadd.s32 $0xFFFFFF80  }
0x1bd: {  	_ =	swait.ge [sflag:s5], $0x80  }
0x1be: {  	[sflag:s5] =	ssyncset.done $0x0  }
0x1bf: {  	[sflag:s5] =	ssyncadd.s32 $0xFFFFFF80  }
0x1c0: {  	_ =	swait.ge [sflag:s5], $0x80  }
0x1c1: {  	[sflag:s5] =	ssyncset.done $0x0  }
0x1c2: {  	[sflag:s5] =	ssyncadd.s32 $0xFFFFFF80  }
0x1c3: {  	_ =	swait.ge [sflag:s5], $0x80  }
0x1c4: {  	[sflag:s5] =	ssyncset.done $0x0  }
0x1c5: {  	[sflag:s5] =	ssyncadd.s32 $0xFFFFFF80  }
0x1c6: {  	_ =	swait.ge [sflag:s5], $0x80  }
0x1c7: {  	[sflag:s5] =	ssyncset.done $0x0  }
0x1c8: {  	[sflag:s5] =	ssyncadd.s32 $0xFFFFFF80  }
0x1c9: {  	_ =	swait.ge [sflag:s5], $0x80  }
0x1ca: {  	[sflag:s5] =	ssyncset.done $0x0  }
0x1cb: {  	[sflag:s5] =	ssyncadd.s32 $0xFFFFFF80  }
0x1cc: {  	_ =	swait.ge [sflag:s5], $0x80  }
0x1cd: {  	[sflag:s5] =	ssyncset.done $0x0  }
0x1ce: {  	[sflag:s5] =	ssyncadd.s32 $0xFFFFFF80  }
0x1cf: {  	_ =	swait.ge [sflag:s5], $0x80  }
0x1d0: {  	[sflag:s5] =	ssyncset.done $0x0  }
0x1d1: {  	[sflag:s5] =	ssyncadd.s32 $0xFFFFFF80  }
0x1d2: {  	_ =	swait.ge [sflag:s5], $0x80  }
0x1d3: {  	[sflag:s5] =	ssyncset.done $0x0  }
0x1d4: {  	[sflag:s5] =	ssyncadd.s32 $0xFFFFFF80  }
0x1d5: {  	_ =	swait.ge [sflag:s5], $0x80  }
0x1d6: {  	[sflag:s5] =	ssyncset.done $0x0  }
0x1d7: {  	[sflag:s5] =	ssyncadd.s32 $0xFFFFFF80  }
0x1d8: {  	_ =	swait.ge [sflag:s5], $0x80  }
0x1d9: {  	p0 =	sne.s32 s9, $0x1;
	[sflag:s5] =	ssyncset.done $0x0  }
.Ltmp1:
0x1da: {  	[sflag:s5] =	ssyncadd.s32 $0xFFFFFF80;
	(pc) =	sbr.rel @p0 .LBB2_1-.Ltmp1, $4  }
0x1db: {  	_ =	swait.ge [sflag:s5], $0x80  }
0x1dc: {  	[sflag:s5] =	ssyncset.done $0x0  }
0x1dd: {  	[sflag:s5] =	ssyncadd.s32 $0xFFFFFF80  }
0x1de: {  	s9 =	sadd.s32 $0xFFFFFFFF, s9;
	v2 =	vld [tilespmem:$0x0]  }
.LBB2_2:
0x1df: {  	_ =	sdelay $0x3  }
0x1e0: {  	v0 =	vand.u32 $0x7F, v2  }
0x1e1: {  	v0 =	vor.u32 v0, v1;
	_ =	sdelay $0x4  }
0x1e2: {  	[tilespmem:s8], [sflag:$0x1] =	stream.indirect_vreg.gather [spmem:s3], $0x1, v0, vm0, $0xb8;
	[tilespmem:$0x4980] =	vst v63  }
0x1e3: {  	_ =	swait.ge [sflag:s6], $0x10  }
0x1e4: {  	[sflag:s6] =	ssyncset.done $0x0  }
0x1e5: {  	s31 =	rddreg [dreg:$0x18];
	[sflag:s6] =	ssyncadd.s32 $0xFFFFFFF0  }
0x1e6: {  	[hbm4b:s31+s2] =	stream.linear.scatter [tilespmem:s8], [sflag:$0x3], $0x10, $0x38;
	[tilespmem:$0x4980] =	vst v63  }
0x1e7: {  	_ =	swait.ge [sflag:s7], $0x10  }
0x1e8: {  	[sflag:s7] =	ssyncset.done $0x0  }
0x1e9: {  	[sflag:s7] =	ssyncadd.s32 $0xFFFFFFF0  }
0x1ea: {  	_ =	sfence.sel $0x180000  }
0x1eb: {  	[bflag:$0x0] =	sbarrier.arrive $0xFFFF  }
0x1ec: {  	p0 =	sne.s32 s0, $0x0;
	_ =	strace $0x90000047  }
0x1ed: {  	s0 =	sadd.s32 @!p0 $0x100000, s1;
	[bflag:$0x2] =	sbarrier.arrive $0xFFFF  }
0x1ee: {  	[sflag:s0] =	ssyncadd.tile.s32 @!p0 $0x1;
	_ =	shalt  }
.Lfunc_end2:
_tile_overlayer_lowered:
.L_overlay_start_2:
0x1ef: {  	(tag) =	ssettag $0x2  }
0x1f0: {  	s0 =	rddreg [dreg:$0x0];
	s2 =	stileid.u32  }
0x1f1: {  	s1 =	rddreg [dreg:$0x1];
	p0 =	sne.s32 s2, $0x0  }
0x1f2: {  	s3 =	rddreg [dreg:$0x2];
	[bflag:$0x3] =	sbarrier.arrive $0xFFFF;
	s2 =	simm.s32 @!p0 $0x1C03  }
0x1f3: {  	[timem:s3], [sflag:s2] =	dma.local @!p0 [hbm:s0], s1  }
0x1f4: {  	s0 =	simm.s32 @!p0 $0x3  }
0x1f5: {  	_ =	swait.ge @!p0 [sflag:s0], s1  }
0x1f6: {  	s1 =	ssub.s32 @!p0 $0x0, s1;
	[sflag:s0] =	ssyncset.done @!p0 $0x0  }
0x1f7: {  	[sflag:s0] =	ssyncadd.s32 @!p0 s1  }
0x1f8: {  	[bflag:$0x3] =	sbarrier.arrive $0xFFFF  }
0x1f9: {  	_ =	shalt  }

</sc_bundles>
